<compile_context>
chip_gen: v7x
topology: tpu7x:2x2x1
jax: 0.10.2.dev20260603
libtpu: 0.0.44.dev20260713+nightly
codegen_flags: <defaults>
</compile_context>

<pallas_src>
import functools

import jax
import jax.numpy as jnp
from jax import lax
from jax.experimental import pallas as pl
from jax.experimental.pallas import tpu as pltpu
from jax.experimental.pallas import tpu_sc as plsc

NUM_CORES = 2
NUM_SUBCORES = 16
NW = NUM_CORES * NUM_SUBCORES
D = 128
L = 16
CHUNK = 256
NBUF = 2

B_TOTAL = 4096 * 200
BPW = B_TOTAL // NW
NCH = BPW // CHUNK

_mesh = plsc.VectorSubcoreMesh(core_axis_name="c", subcore_axis_name="s")


@functools.partial(
    pl.kernel,
    mesh=_mesh,
    compiler_params=pltpu.CompilerParams(needs_layout_passes=False),
    out_type=jax.ShapeDtypeStruct((B_TOTAL, D), jnp.float32),
    scratch_types=[
        pltpu.VMEM((BPW,), jnp.int32),
        pltpu.VMEM((3, D), jnp.float32),
        pltpu.VMEM((NBUF, CHUNK, D), jnp.float32),
        pltpu.SemaphoreType.DMA((NBUF,)),
    ],
)
def _lookup(table_hbm, idx_hbm, out_hbm, idx_v, tab_v, rows_v, ssem):
    wid = lax.axis_index("s") * NUM_CORES + lax.axis_index("c")
    base = wid * BPW

    pltpu.sync_copy(idx_hbm.at[pl.ds(base, BPW)], idx_v)
    pltpu.sync_copy(table_hbm, tab_v)

    trows = [[tab_v[k, pl.ds(L * j, L)] for j in range(D // L)]
             for k in range(3)]

    def scatter(i, b):
        return pltpu.make_async_copy(
            rows_v.at[b], out_hbm.at[pl.ds(base + i * CHUNK, CHUNK)],
            ssem.at[b])

    def compute_chunk(i, b):
        @plsc.parallel_loop(0, CHUNK, unroll=4)
        def row_body(r):
            g = i * CHUNK + r
            ie = plsc.load_gather(idx_v, [jnp.full((L,), g, jnp.int32)])
            m0 = ie == 0
            m1 = ie == 1
            for j in range(D // L):
                val = jnp.where(m0, trows[0][j],
                                jnp.where(m1, trows[1][j], trows[2][j]))
                rows_v[b, r, pl.ds(L * j, L)] = val

    def outer(k, carry):
        for b in range(NBUF):
            i = k * NBUF + b

            @pl.when(k > 0)
            def _():
                scatter(i - NBUF, b).wait()

            compute_chunk(i, b)
            scatter(i, b).start()
        return carry

    lax.fori_loop(0, NCH // NBUF, outer, 0)

    for b in range(NBUF):
        scatter(NCH - NBUF + b, b).wait()


def kernel(state, table):
    idx = state.reshape(B_TOTAL).astype(jnp.int32)
    out = _lookup(table, idx)
    return out.reshape(4096, 200, D)

# --- scband reference (transcript-rebuilt; emitter-appended) ---
"""Pipeline reference for scband-state-encoder-53979148976509 (READ-ONLY COPY).

The authoritative reference and input builder live on the scoring server;
editing this copy changes nothing except your own understanding.
"""

import jax, jax.numpy as jnp
import numpy as np

NUM_EMBEDDINGS = 3
HIDDEN_DIM = 128

def setup_inputs(seed: int = 0) -> dict:
    key = jax.random.key(seed)
    k_state, k_table = jax.random.split(key)
    state = jax.random.randint(k_state, (4096, 200), 0, NUM_EMBEDDINGS, dtype=jnp.int64)
    # nn.Embedding default init: N(0, 1)
    table = jax.random.normal(k_table, (NUM_EMBEDDINGS, HIDDEN_DIM), dtype=jnp.float32)
    return {"state": state, "table": table}

def reference(state, table):
    # Faithful translation of nn.Embedding lookup: out[b, t, :] = table[state[b, t], :]
    return jnp.take(table, state, axis=0)

if __name__ == "__main__":
    import jax
    _d = setup_inputs()
    print(jax.jit(kernel)(*tuple(_d.values())))

</pallas_src>

<mosaic_0001>
#map = affine_map<(d0, d1) -> (0, 0)>
#map1 = affine_map<(d0, d1) -> (0)>
module attributes {stable_mosaic.version = 14 : i64} {
  func.func @_lookup(%arg0: i32, %arg1: i32, %arg2: memref<3x128xf32, #tpu.memory_space<hbm>>, %arg3: memref<819200xi32, #tpu.memory_space<hbm>>, %arg4: memref<819200x128xf32, #tpu.memory_space<hbm>>, %arg5: memref<25600xi32, #tpu.memory_space<vmem>>, %arg6: memref<3x128xf32, #tpu.memory_space<vmem>>, %arg7: memref<2x256x128xf32, #tpu.memory_space<vmem>>, %arg8: memref<2x!tpu.dma_semaphore, #tpu.memory_space<semaphore_mem>>) attributes {dimension_semantics = [#tpu.dimension_semantics<core_parallel>, #tpu.dimension_semantics<subcore_parallel>], iteration_bounds = array<i64: 2, 16>, scalar_prefetch = 0 : i64, scratch_operands = 4 : i64, tpu.core_type = #tpu.core_type<sc_vector_subcore>, window_params = [{transform_indices = #map}, {transform_indices = #map1}, {transform_indices = #map}]} {
    %mul3A = arith.constant 2 : i32
    %mul3A_0 = arith.muli %arg1, %mul3A : i32
    %add3A = arith.addi %mul3A_0, %arg0 : i32
    %mul3A_1 = arith.constant 25600 : i32
    %mul3A_2 = arith.muli %add3A, %mul3A_1 : i32
    "tpu.region"() ({
      %run_scoped3A = tpu.sem_alloc : memref<!tpu.dma_semaphore, #tpu.memory_space<semaphore_mem>>
      %dma_start3A = tpu.memref_slice %arg3[%mul3A_2] : memref<819200xi32, #tpu.memory_space<hbm>> -> memref<25600xi32, #tpu.memory_space<hbm>>
      %dma_start3A_138 = tpu.memref_slice %arg3[%mul3A_2] : memref<819200xi32, #tpu.memory_space<hbm>> -> memref<25600xi32, #tpu.memory_space<hbm>>
      tpu.enqueue_dma source(%dma_start3A_138 : memref<25600xi32, #tpu.memory_space<hbm>>) target(%arg5 : memref<25600xi32, #tpu.memory_space<vmem>>) target_semaphore(%run_scoped3A : memref<!tpu.dma_semaphore, #tpu.memory_space<semaphore_mem>>)
      %dma_wait3A_139 = tpu.memref_slice %arg3[%mul3A_2] : memref<819200xi32, #tpu.memory_space<hbm>> -> memref<25600xi32, #tpu.memory_space<hbm>>
      %dma_wait3A_140 = tpu.memref_slice %arg3[%mul3A_2] : memref<819200xi32, #tpu.memory_space<hbm>> -> memref<25600xi32, #tpu.memory_space<hbm>>
      tpu.wait_dma2 semaphore(%run_scoped3A : memref<!tpu.dma_semaphore, #tpu.memory_space<semaphore_mem>>) src(%dma_wait3A_140 : memref<25600xi32, #tpu.memory_space<hbm>>) dst(%arg5 : memref<25600xi32, #tpu.memory_space<vmem>>)
      tpu.yield
    }) : () -> ()
    "tpu.region"() ({
      %run_scoped3A = tpu.sem_alloc : memref<!tpu.dma_semaphore, #tpu.memory_space<semaphore_mem>>
      tpu.enqueue_dma source(%arg2 : memref<3x128xf32, #tpu.memory_space<hbm>>) target(%arg6 : memref<3x128xf32, #tpu.memory_space<vmem>>) target_semaphore(%run_scoped3A : memref<!tpu.dma_semaphore, #tpu.memory_space<semaphore_mem>>)
      tpu.wait_dma2 semaphore(%run_scoped3A : memref<!tpu.dma_semaphore, #tpu.memory_space<semaphore_mem>>) src(%arg2 : memref<3x128xf32, #tpu.memory_space<hbm>>) dst(%arg6 : memref<3x128xf32, #tpu.memory_space<vmem>>)
      tpu.yield
    }) : () -> ()
    %get3A = arith.constant 0 : i32
    %get3A_3 = arith.index_cast %get3A : i32 to index
    %get3A_4 = arith.constant 0 : index
    %get3A_5 = tpu.vector_load %arg6[%get3A_3, %get3A_4] {strides = array<i32>} : memref<3x128xf32, #tpu.memory_space<vmem>>, vector<16xf32>,
    %get3A_6 = arith.constant 0 : i32
    %get3A_7 = arith.index_cast %get3A_6 : i32 to index
    %get3A_8 = arith.constant 16 : index
    %get3A_9 = tpu.vector_load %arg6[%get3A_7, %get3A_8] {strides = array<i32>} : memref<3x128xf32, #tpu.memory_space<vmem>>, vector<16xf32>,
    %get3A_10 = arith.constant 0 : i32
    %get3A_11 = arith.index_cast %get3A_10 : i32 to index
    %get3A_12 = arith.constant 32 : index
    %get3A_13 = tpu.vector_load %arg6[%get3A_11, %get3A_12] {strides = array<i32>} : memref<3x128xf32, #tpu.memory_space<vmem>>, vector<16xf32>,
    %get3A_14 = arith.constant 0 : i32
    %get3A_15 = arith.index_cast %get3A_14 : i32 to index
    %get3A_16 = arith.constant 48 : index
    %get3A_17 = tpu.vector_load %arg6[%get3A_15, %get3A_16] {strides = array<i32>} : memref<3x128xf32, #tpu.memory_space<vmem>>, vector<16xf32>,
    %get3A_18 = arith.constant 0 : i32
    %get3A_19 = arith.index_cast %get3A_18 : i32 to index
    %get3A_20 = arith.constant 64 : index
    %get3A_21 = tpu.vector_load %arg6[%get3A_19, %get3A_20] {strides = array<i32>} : memref<3x128xf32, #tpu.memory_space<vmem>>, vector<16xf32>,
    %get3A_22 = arith.constant 0 : i32
    %get3A_23 = arith.index_cast %get3A_22 : i32 to index
    %get3A_24 = arith.constant 80 : index
    %get3A_25 = tpu.vector_load %arg6[%get3A_23, %get3A_24] {strides = array<i32>} : memref<3x128xf32, #tpu.memory_space<vmem>>, vector<16xf32>,
    %get3A_26 = arith.constant 0 : i32
    %get3A_27 = arith.index_cast %get3A_26 : i32 to index
    %get3A_28 = arith.constant 96 : index
    %get3A_29 = tpu.vector_load %arg6[%get3A_27, %get3A_28] {strides = array<i32>} : memref<3x128xf32, #tpu.memory_space<vmem>>, vector<16xf32>,
    %get3A_30 = arith.constant 0 : i32
    %get3A_31 = arith.index_cast %get3A_30 : i32 to index
    %get3A_32 = arith.constant 112 : index
    %get3A_33 = tpu.vector_load %arg6[%get3A_31, %get3A_32] {strides = array<i32>} : memref<3x128xf32, #tpu.memory_space<vmem>>, vector<16xf32>,
    %get3A_34 = arith.constant 1 : i32
    %get3A_35 = arith.index_cast %get3A_34 : i32 to index
    %get3A_36 = arith.constant 0 : index
    %get3A_37 = tpu.vector_load %arg6[%get3A_35, %get3A_36] {strides = array<i32>} : memref<3x128xf32, #tpu.memory_space<vmem>>, vector<16xf32>,
    %get3A_38 = arith.constant 1 : i32
    %get3A_39 = arith.index_cast %get3A_38 : i32 to index
    %get3A_40 = arith.constant 16 : index
    %get3A_41 = tpu.vector_load %arg6[%get3A_39, %get3A_40] {strides = array<i32>} : memref<3x128xf32, #tpu.memory_space<vmem>>, vector<16xf32>,
    %get3A_42 = arith.constant 1 : i32
    %get3A_43 = arith.index_cast %get3A_42 : i32 to index
    %get3A_44 = arith.constant 32 : index
    %get3A_45 = tpu.vector_load %arg6[%get3A_43, %get3A_44] {strides = array<i32>} : memref<3x128xf32, #tpu.memory_space<vmem>>, vector<16xf32>,
    %get3A_46 = arith.constant 1 : i32
    %get3A_47 = arith.index_cast %get3A_46 : i32 to index
    %get3A_48 = arith.constant 48 : index
    %get3A_49 = tpu.vector_load %arg6[%get3A_47, %get3A_48] {strides = array<i32>} : memref<3x128xf32, #tpu.memory_space<vmem>>, vector<16xf32>,
    %get3A_50 = arith.constant 1 : i32
    %get3A_51 = arith.index_cast %get3A_50 : i32 to index
    %get3A_52 = arith.constant 64 : index
    %get3A_53 = tpu.vector_load %arg6[%get3A_51, %get3A_52] {strides = array<i32>} : memref<3x128xf32, #tpu.memory_space<vmem>>, vector<16xf32>,
    %get3A_54 = arith.constant 1 : i32
    %get3A_55 = arith.index_cast %get3A_54 : i32 to index
    %get3A_56 = arith.constant 80 : index
    %get3A_57 = tpu.vector_load %arg6[%get3A_55, %get3A_56] {strides = array<i32>} : memref<3x128xf32, #tpu.memory_space<vmem>>, vector<16xf32>,
    %get3A_58 = arith.constant 1 : i32
    %get3A_59 = arith.index_cast %get3A_58 : i32 to index
    %get3A_60 = arith.constant 96 : index
    %get3A_61 = tpu.vector_load %arg6[%get3A_59, %get3A_60] {strides = array<i32>} : memref<3x128xf32, #tpu.memory_space<vmem>>, vector<16xf32>,
    %get3A_62 = arith.constant 1 : i32
    %get3A_63 = arith.index_cast %get3A_62 : i32 to index
    %get3A_64 = arith.constant 112 : index
    %get3A_65 = tpu.vector_load %arg6[%get3A_63, %get3A_64] {strides = array<i32>} : memref<3x128xf32, #tpu.memory_space<vmem>>, vector<16xf32>,
    %get3A_66 = arith.constant 2 : i32
    %get3A_67 = arith.index_cast %get3A_66 : i32 to index
    %get3A_68 = arith.constant 0 : index
    %get3A_69 = tpu.vector_load %arg6[%get3A_67, %get3A_68] {strides = array<i32>} : memref<3x128xf32, #tpu.memory_space<vmem>>, vector<16xf32>,
    %get3A_70 = arith.constant 2 : i32
    %get3A_71 = arith.index_cast %get3A_70 : i32 to index
    %get3A_72 = arith.constant 16 : index
    %get3A_73 = tpu.vector_load %arg6[%get3A_71, %get3A_72] {strides = array<i32>} : memref<3x128xf32, #tpu.memory_space<vmem>>, vector<16xf32>,
    %get3A_74 = arith.constant 2 : i32
    %get3A_75 = arith.index_cast %get3A_74 : i32 to index
    %get3A_76 = arith.constant 32 : index
    %get3A_77 = tpu.vector_load %arg6[%get3A_75, %get3A_76] {strides = array<i32>} : memref<3x128xf32, #tpu.memory_space<vmem>>, vector<16xf32>,
    %get3A_78 = arith.constant 2 : i32
    %get3A_79 = arith.index_cast %get3A_78 : i32 to index
    %get3A_80 = arith.constant 48 : index
    %get3A_81 = tpu.vector_load %arg6[%get3A_79, %get3A_80] {strides = array<i32>} : memref<3x128xf32, #tpu.memory_space<vmem>>, vector<16xf32>,
    %get3A_82 = arith.constant 2 : i32
    %get3A_83 = arith.index_cast %get3A_82 : i32 to index
    %get3A_84 = arith.constant 64 : index
    %get3A_85 = tpu.vector_load %arg6[%get3A_83, %get3A_84] {strides = array<i32>} : memref<3x128xf32, #tpu.memory_space<vmem>>, vector<16xf32>,
    %get3A_86 = arith.constant 2 : i32
    %get3A_87 = arith.index_cast %get3A_86 : i32 to index
    %get3A_88 = arith.constant 80 : index
    %get3A_89 = tpu.vector_load %arg6[%get3A_87, %get3A_88] {strides = array<i32>} : memref<3x128xf32, #tpu.memory_space<vmem>>, vector<16xf32>,
    %get3A_90 = arith.constant 2 : i32
    %get3A_91 = arith.index_cast %get3A_90 : i32 to index
    %get3A_92 = arith.constant 96 : index
    %get3A_93 = tpu.vector_load %arg6[%get3A_91, %get3A_92] {strides = array<i32>} : memref<3x128xf32, #tpu.memory_space<vmem>>, vector<16xf32>,
    %get3A_94 = arith.constant 2 : i32
    %get3A_95 = arith.index_cast %get3A_94 : i32 to index
    %get3A_96 = arith.constant 112 : index
    %get3A_97 = tpu.vector_load %arg6[%get3A_95, %get3A_96] {strides = array<i32>} : memref<3x128xf32, #tpu.memory_space<vmem>>, vector<16xf32>,
    %scan3A = arith.constant 0 : i32
    %scan3A_98 = arith.constant 0 : i32
    %scan3A_99 = arith.constant 50 : i32
    %scan3A_100 = arith.addi %scan3A_98, %scan3A_99 : i32
    %scan3A_101 = arith.constant 1 : i32
    scf.for %scan3A_138 = %scan3A_98 to %scan3A_100 step %scan3A_101  : i32 {
      %mul3A_139 = arith.constant 2 : i32
      %mul3A_140 = arith.muli %scan3A_138, %mul3A_139 : i32
      %add3A_141 = arith.constant 0 : i32
      %add3A_142 = arith.addi %mul3A_140, %add3A_141 : i32
      %gt3A = arith.constant 0 : i32
      %gt3A_143 = arith.cmpi sgt, %scan3A_138, %gt3A : i32
      %convert_element_type3A = arith.extui %gt3A_143 : i1 to i32
      %cond3A = arith.constant 0 : i32
      %cond3A_144 = arith.cmpi ne, %convert_element_type3A, %cond3A : i32
      scf.if %cond3A_144 {
        %sub3A = arith.constant 2 : i32
        %sub3A_196 = arith.subi %add3A_142, %sub3A : i32
        %mul3A_197 = arith.constant 256 : i32
        %mul3A_198 = arith.muli %sub3A_196, %mul3A_197 : i32
        %add3A_199 = arith.addi %mul3A_2, %mul3A_198 : i32
        %dma_wait3A_200 = arith.constant 0 : i32
        %dma_wait3A_201 = arith.constant 0 : i32
        %dma_wait3A_202 = arith.constant 0 : i32
        %dma_wait3A_203 = arith.constant 0 : i32
        %dma_wait3A_204 = tpu.memref_slice %arg7[%dma_wait3A_200, %dma_wait3A_202, %dma_wait3A_203] : memref<2x256x128xf32, #tpu.memory_space<vmem>> -> memref<1x256x128xf32, #tpu.memory_space<vmem>>
        %dma_wait3A_205 = tpu.memref_squeeze %dma_wait3A_204 : memref<1x256x128xf32, #tpu.memory_space<vmem>> -> memref<256x128xf32, #tpu.memory_space<vmem>>
        %dma_wait3A_206 = arith.constant 0 : i32
        %dma_wait3A_207 = tpu.memref_slice %arg4[%add3A_199, %dma_wait3A_206] : memref<819200x128xf32, #tpu.memory_space<hbm>> -> memref<256x128xf32, #tpu.memory_space<hbm>>
        %dma_wait3A_208 = tpu.memref_slice %arg8[%dma_wait3A_201] : memref<2x!tpu.dma_semaphore, #tpu.memory_space<semaphore_mem>> -> memref<1x!tpu.dma_semaphore, #tpu.memory_space<semaphore_mem>>
        %dma_wait3A_209 = tpu.memref_squeeze %dma_wait3A_208 : memref<1x!tpu.dma_semaphore, #tpu.memory_space<semaphore_mem>> -> memref<!tpu.dma_semaphore, #tpu.memory_space<semaphore_mem>>
        %dma_wait3A_210 = arith.constant 0 : i32
        %dma_wait3A_211 = tpu.memref_slice %arg4[%add3A_199, %dma_wait3A_210] : memref<819200x128xf32, #tpu.memory_space<hbm>> -> memref<256x128xf32, #tpu.memory_space<hbm>>
        %dma_wait3A_212 = arith.constant 0 : i32
        %dma_wait3A_213 = arith.constant 0 : i32
        %dma_wait3A_214 = tpu.memref_slice %arg7[%dma_wait3A_200, %dma_wait3A_212, %dma_wait3A_213] : memref<2x256x128xf32, #tpu.memory_space<vmem>> -> memref<1x256x128xf32, #tpu.memory_space<vmem>>
        %dma_wait3A_215 = tpu.memref_squeeze %dma_wait3A_214 : memref<1x256x128xf32, #tpu.memory_space<vmem>> -> memref<256x128xf32, #tpu.memory_space<vmem>>
        tpu.wait_dma2 semaphore(%dma_wait3A_209 : memref<!tpu.dma_semaphore, #tpu.memory_space<semaphore_mem>>) src(%dma_wait3A_215 : memref<256x128xf32, #tpu.memory_space<vmem>>) dst(%dma_wait3A_211 : memref<256x128xf32, #tpu.memory_space<hbm>>)
      } else {
      }
      %parallel_loop3A = arith.constant 0 : i32
      %parallel_loop3A_145 = arith.constant 256 : i32
      %parallel_loop3A_146 = arith.constant 1 : i32
      scf.for %parallel_loop3A_196 = %parallel_loop3A to %parallel_loop3A_145 step %parallel_loop3A_146  : i32 {
        %parallel_loop3A_197 = arith.constant 256 : i32
        %parallel_loop3A_198 = arith.muli %add3A_142, %parallel_loop3A_197 : i32
        %parallel_loop3A_199 = arith.addi %parallel_loop3A_198, %parallel_loop3A_196 : i32
        %parallel_loop3A_200 = vector.broadcast %parallel_loop3A_199 : i32 to vector<16xi32>
        %parallel_loop3A_201 = tpu.vector_load_idx %arg5[%parallel_loop3A_200] : memref<25600xi32, #tpu.memory_space<vmem>>[vector<16xi32>], vector<16xi32>,
        %parallel_loop3A_202 = arith.constant 0 : i32
        %parallel_loop3A_203 = vector.broadcast %parallel_loop3A_202 : i32 to vector<16xi32>
        %parallel_loop3A_204 = arith.cmpi eq, %parallel_loop3A_201, %parallel_loop3A_203 : vector<16xi32>
        %parallel_loop3A_205 = arith.constant 1 : i32
        %parallel_loop3A_206 = vector.broadcast %parallel_loop3A_205 : i32 to vector<16xi32>
        %parallel_loop3A_207 = arith.cmpi eq, %parallel_loop3A_201, %parallel_loop3A_206 : vector<16xi32>
        %parallel_loop3A_208 = arith.select %parallel_loop3A_207, %get3A_37, %get3A_69 : vector<16xi1>, vector<16xf32>
        %parallel_loop3A_209 = arith.select %parallel_loop3A_204, %get3A_5, %parallel_loop3A_208 : vector<16xi1>, vector<16xf32>
        %parallel_loop3A_210 = arith.constant 0 : i32
        %parallel_loop3A_211 = arith.index_cast %parallel_loop3A_210 : i32 to index
        %parallel_loop3A_212 = arith.index_cast %parallel_loop3A_196 : i32 to index
        %parallel_loop3A_213 = arith.constant 0 : index
        %parallel_loop3A_214 = tpu.vector_load %arg7[%parallel_loop3A_211, %parallel_loop3A_212, %parallel_loop3A_213] {strides = array<i32>} : memref<2x256x128xf32, #tpu.memory_space<vmem>>, vector<16xf32>,
        tpu.vector_store %arg7[%parallel_loop3A_211, %parallel_loop3A_212, %parallel_loop3A_213], %parallel_loop3A_209 {strides = array<i32>} : memref<2x256x128xf32, #tpu.memory_space<vmem>>, vector<16xf32>,
        %parallel_loop3A_215 = arith.select %parallel_loop3A_207, %get3A_41, %get3A_73 : vector<16xi1>, vector<16xf32>
        %parallel_loop3A_216 = arith.select %parallel_loop3A_204, %get3A_9, %parallel_loop3A_215 : vector<16xi1>, vector<16xf32>
        %parallel_loop3A_217 = arith.constant 0 : i32
        %parallel_loop3A_218 = arith.index_cast %parallel_loop3A_217 : i32 to index
        %parallel_loop3A_219 = arith.index_cast %parallel_loop3A_196 : i32 to index
        %parallel_loop3A_220 = arith.constant 16 : index
        %parallel_loop3A_221 = tpu.vector_load %arg7[%parallel_loop3A_218, %parallel_loop3A_219, %parallel_loop3A_220] {strides = array<i32>} : memref<2x256x128xf32, #tpu.memory_space<vmem>>, vector<16xf32>,
        tpu.vector_store %arg7[%parallel_loop3A_218, %parallel_loop3A_219, %parallel_loop3A_220], %parallel_loop3A_216 {strides = array<i32>} : memref<2x256x128xf32, #tpu.memory_space<vmem>>, vector<16xf32>,
        %parallel_loop3A_222 = arith.select %parallel_loop3A_207, %get3A_45, %get3A_77 : vector<16xi1>, vector<16xf32>
        %parallel_loop3A_223 = arith.select %parallel_loop3A_204, %get3A_13, %parallel_loop3A_222 : vector<16xi1>, vector<16xf32>
        %parallel_loop3A_224 = arith.constant 0 : i32
        %parallel_loop3A_225 = arith.index_cast %parallel_loop3A_224 : i32 to index
        %parallel_loop3A_226 = arith.index_cast %parallel_loop3A_196 : i32 to index
        %parallel_loop3A_227 = arith.constant 32 : index
        %parallel_loop3A_228 = tpu.vector_load %arg7[%parallel_loop3A_225, %parallel_loop3A_226, %parallel_loop3A_227] {strides = array<i32>} : memref<2x256x128xf32, #tpu.memory_space<vmem>>, vector<16xf32>,
        tpu.vector_store %arg7[%parallel_loop3A_225, %parallel_loop3A_226, %parallel_loop3A_227], %parallel_loop3A_223 {strides = array<i32>} : memref<2x256x128xf32, #tpu.memory_space<vmem>>, vector<16xf32>,
        %parallel_loop3A_229 = arith.select %parallel_loop3A_207, %get3A_49, %get3A_81 : vector<16xi1>, vector<16xf32>
        %parallel_loop3A_230 = arith.select %parallel_loop3A_204, %get3A_17, %parallel_loop3A_229 : vector<16xi1>, vector<16xf32>
        %parallel_loop3A_231 = arith.constant 0 : i32
        %parallel_loop3A_232 = arith.index_cast %parallel_loop3A_231 : i32 to index
        %parallel_loop3A_233 = arith.index_cast %parallel_loop3A_196 : i32 to index
        %parallel_loop3A_234 = arith.constant 48 : index
        %parallel_loop3A_235 = tpu.vector_load %arg7[%parallel_loop3A_232, %parallel_loop3A_233, %parallel_loop3A_234] {strides = array<i32>} : memref<2x256x128xf32, #tpu.memory_space<vmem>>, vector<16xf32>,
        tpu.vector_store %arg7[%parallel_loop3A_232, %parallel_loop3A_233, %parallel_loop3A_234], %parallel_loop3A_230 {strides = array<i32>} : memref<2x256x128xf32, #tpu.memory_space<vmem>>, vector<16xf32>,
        %parallel_loop3A_236 = arith.select %parallel_loop3A_207, %get3A_53, %get3A_85 : vector<16xi1>, vector<16xf32>
        %parallel_loop3A_237 = arith.select %parallel_loop3A_204, %get3A_21, %parallel_loop3A_236 : vector<16xi1>, vector<16xf32>
        %parallel_loop3A_238 = arith.constant 0 : i32
        %parallel_loop3A_239 = arith.index_cast %parallel_loop3A_238 : i32 to index
        %parallel_loop3A_240 = arith.index_cast %parallel_loop3A_196 : i32 to index
        %parallel_loop3A_241 = arith.constant 64 : index
        %parallel_loop3A_242 = tpu.vector_load %arg7[%parallel_loop3A_239, %parallel_loop3A_240, %parallel_loop3A_241] {strides = array<i32>} : memref<2x256x128xf32, #tpu.memory_space<vmem>>, vector<16xf32>,
        tpu.vector_store %arg7[%parallel_loop3A_239, %parallel_loop3A_240, %parallel_loop3A_241], %parallel_loop3A_237 {strides = array<i32>} : memref<2x256x128xf32, #tpu.memory_space<vmem>>, vector<16xf32>,
        %parallel_loop3A_243 = arith.select %parallel_loop3A_207, %get3A_57, %get3A_89 : vector<16xi1>, vector<16xf32>
        %parallel_loop3A_244 = arith.select %parallel_loop3A_204, %get3A_25, %parallel_loop3A_243 : vector<16xi1>, vector<16xf32>
        %parallel_loop3A_245 = arith.constant 0 : i32
        %parallel_loop3A_246 = arith.index_cast %parallel_loop3A_245 : i32 to index
        %parallel_loop3A_247 = arith.index_cast %parallel_loop3A_196 : i32 to index
        %parallel_loop3A_248 = arith.constant 80 : index
        %parallel_loop3A_249 = tpu.vector_load %arg7[%parallel_loop3A_246, %parallel_loop3A_247, %parallel_loop3A_248] {strides = array<i32>} : memref<2x256x128xf32, #tpu.memory_space<vmem>>, vector<16xf32>,
        tpu.vector_store %arg7[%parallel_loop3A_246, %parallel_loop3A_247, %parallel_loop3A_248], %parallel_loop3A_244 {strides = array<i32>} : memref<2x256x128xf32, #tpu.memory_space<vmem>>, vector<16xf32>,
        %parallel_loop3A_250 = arith.select %parallel_loop3A_207, %get3A_61, %get3A_93 : vector<16xi1>, vector<16xf32>
        %parallel_loop3A_251 = arith.select %parallel_loop3A_204, %get3A_29, %parallel_loop3A_250 : vector<16xi1>, vector<16xf32>
        %parallel_loop3A_252 = arith.constant 0 : i32
        %parallel_loop3A_253 = arith.index_cast %parallel_loop3A_252 : i32 to index
        %parallel_loop3A_254 = arith.index_cast %parallel_loop3A_196 : i32 to index
        %parallel_loop3A_255 = arith.constant 96 : index
        %parallel_loop3A_256 = tpu.vector_load %arg7[%parallel_loop3A_253, %parallel_loop3A_254, %parallel_loop3A_255] {strides = array<i32>} : memref<2x256x128xf32, #tpu.memory_space<vmem>>, vector<16xf32>,
        tpu.vector_store %arg7[%parallel_loop3A_253, %parallel_loop3A_254, %parallel_loop3A_255], %parallel_loop3A_251 {strides = array<i32>} : memref<2x256x128xf32, #tpu.memory_space<vmem>>, vector<16xf32>,
        %parallel_loop3A_257 = arith.select %parallel_loop3A_207, %get3A_65, %get3A_97 : vector<16xi1>, vector<16xf32>
        %parallel_loop3A_258 = arith.select %parallel_loop3A_204, %get3A_33, %parallel_loop3A_257 : vector<16xi1>, vector<16xf32>
        %parallel_loop3A_259 = arith.constant 0 : i32
        %parallel_loop3A_260 = arith.index_cast %parallel_loop3A_259 : i32 to index
        %parallel_loop3A_261 = arith.index_cast %parallel_loop3A_196 : i32 to index
        %parallel_loop3A_262 = arith.constant 112 : index
        %parallel_loop3A_263 = tpu.vector_load %arg7[%parallel_loop3A_260, %parallel_loop3A_261, %parallel_loop3A_262] {strides = array<i32>} : memref<2x256x128xf32, #tpu.memory_space<vmem>>, vector<16xf32>,
        tpu.vector_store %arg7[%parallel_loop3A_260, %parallel_loop3A_261, %parallel_loop3A_262], %parallel_loop3A_258 {strides = array<i32>} : memref<2x256x128xf32, #tpu.memory_space<vmem>>, vector<16xf32>,
      } {sc.loop_unroll_factor = 4 : i64, sc.parallel_access}
      %mul3A_147 = arith.constant 256 : i32
      %mul3A_148 = arith.muli %add3A_142, %mul3A_147 : i32
      %add3A_149 = arith.addi %mul3A_2, %mul3A_148 : i32
      %dma_start3A = arith.constant 0 : i32
      %dma_start3A_150 = arith.constant 0 : i32
      %dma_start3A_151 = arith.constant 0 : i32
      %dma_start3A_152 = arith.constant 0 : i32
      %dma_start3A_153 = tpu.memref_slice %arg7[%dma_start3A, %dma_start3A_151, %dma_start3A_152] : memref<2x256x128xf32, #tpu.memory_space<vmem>> -> memref<1x256x128xf32, #tpu.memory_space<vmem>>
      %dma_start3A_154 = tpu.memref_squeeze %dma_start3A_153 : memref<1x256x128xf32, #tpu.memory_space<vmem>> -> memref<256x128xf32, #tpu.memory_space<vmem>>
      %dma_start3A_155 = arith.constant 0 : i32
      %dma_start3A_156 = tpu.memref_slice %arg4[%add3A_149, %dma_start3A_155] : memref<819200x128xf32, #tpu.memory_space<hbm>> -> memref<256x128xf32, #tpu.memory_space<hbm>>
      %dma_start3A_157 = tpu.memref_slice %arg8[%dma_start3A_150] : memref<2x!tpu.dma_semaphore, #tpu.memory_space<semaphore_mem>> -> memref<1x!tpu.dma_semaphore, #tpu.memory_space<semaphore_mem>>
      %dma_start3A_158 = tpu.memref_squeeze %dma_start3A_157 : memref<1x!tpu.dma_semaphore, #tpu.memory_space<semaphore_mem>> -> memref<!tpu.dma_semaphore, #tpu.memory_space<semaphore_mem>>
      %dma_start3A_159 = arith.constant 0 : i32
      %dma_start3A_160 = tpu.memref_slice %arg4[%add3A_149, %dma_start3A_159] : memref<819200x128xf32, #tpu.memory_space<hbm>> -> memref<256x128xf32, #tpu.memory_space<hbm>>
      %dma_start3A_161 = arith.constant 0 : i32
      %dma_start3A_162 = arith.constant 0 : i32
      %dma_start3A_163 = tpu.memref_slice %arg7[%dma_start3A, %dma_start3A_161, %dma_start3A_162] : memref<2x256x128xf32, #tpu.memory_space<vmem>> -> memref<1x256x128xf32, #tpu.memory_space<vmem>>
      %dma_start3A_164 = tpu.memref_squeeze %dma_start3A_163 : memref<1x256x128xf32, #tpu.memory_space<vmem>> -> memref<256x128xf32, #tpu.memory_space<vmem>>
      tpu.enqueue_dma source(%dma_start3A_164 : memref<256x128xf32, #tpu.memory_space<vmem>>) target(%dma_start3A_160 : memref<256x128xf32, #tpu.memory_space<hbm>>) target_semaphore(%dma_start3A_158 : memref<!tpu.dma_semaphore, #tpu.memory_space<semaphore_mem>>)
      %mul3A_165 = arith.constant 2 : i32
      %mul3A_166 = arith.muli %scan3A_138, %mul3A_165 : i32
      %add3A_167 = arith.constant 1 : i32
      %add3A_168 = arith.addi %mul3A_166, %add3A_167 : i32
      %gt3A_169 = arith.constant 0 : i32
      %gt3A_170 = arith.cmpi sgt, %scan3A_138, %gt3A_169 : i32
      %convert_element_type3A_171 = arith.extui %gt3A_170 : i1 to i32
      %cond3A_172 = arith.constant 0 : i32
      %cond3A_173 = arith.cmpi ne, %convert_element_type3A_171, %cond3A_172 : i32
      scf.if %cond3A_173 {
        %sub3A = arith.constant 2 : i32
        %sub3A_196 = arith.subi %add3A_168, %sub3A : i32
        %mul3A_197 = arith.constant 256 : i32
        %mul3A_198 = arith.muli %sub3A_196, %mul3A_197 : i32
        %add3A_199 = arith.addi %mul3A_2, %mul3A_198 : i32
        %dma_wait3A_200 = arith.constant 1 : i32
        %dma_wait3A_201 = arith.constant 1 : i32
        %dma_wait3A_202 = arith.constant 0 : i32
        %dma_wait3A_203 = arith.constant 0 : i32
        %dma_wait3A_204 = tpu.memref_slice %arg7[%dma_wait3A_200, %dma_wait3A_202, %dma_wait3A_203] : memref<2x256x128xf32, #tpu.memory_space<vmem>> -> memref<1x256x128xf32, #tpu.memory_space<vmem>>
        %dma_wait3A_205 = tpu.memref_squeeze %dma_wait3A_204 : memref<1x256x128xf32, #tpu.memory_space<vmem>> -> memref<256x128xf32, #tpu.memory_space<vmem>>
        %dma_wait3A_206 = arith.constant 0 : i32
        %dma_wait3A_207 = tpu.memref_slice %arg4[%add3A_199, %dma_wait3A_206] : memref<819200x128xf32, #tpu.memory_space<hbm>> -> memref<256x128xf32, #tpu.memory_space<hbm>>
        %dma_wait3A_208 = tpu.memref_slice %arg8[%dma_wait3A_201] : memref<2x!tpu.dma_semaphore, #tpu.memory_space<semaphore_mem>> -> memref<1x!tpu.dma_semaphore, #tpu.memory_space<semaphore_mem>>
        %dma_wait3A_209 = tpu.memref_squeeze %dma_wait3A_208 : memref<1x!tpu.dma_semaphore, #tpu.memory_space<semaphore_mem>> -> memref<!tpu.dma_semaphore, #tpu.memory_space<semaphore_mem>>
        %dma_wait3A_210 = arith.constant 0 : i32
        %dma_wait3A_211 = tpu.memref_slice %arg4[%add3A_199, %dma_wait3A_210] : memref<819200x128xf32, #tpu.memory_space<hbm>> -> memref<256x128xf32, #tpu.memory_space<hbm>>
        %dma_wait3A_212 = arith.constant 0 : i32
        %dma_wait3A_213 = arith.constant 0 : i32
        %dma_wait3A_214 = tpu.memref_slice %arg7[%dma_wait3A_200, %dma_wait3A_212, %dma_wait3A_213] : memref<2x256x128xf32, #tpu.memory_space<vmem>> -> memref<1x256x128xf32, #tpu.memory_space<vmem>>
        %dma_wait3A_215 = tpu.memref_squeeze %dma_wait3A_214 : memref<1x256x128xf32, #tpu.memory_space<vmem>> -> memref<256x128xf32, #tpu.memory_space<vmem>>
        tpu.wait_dma2 semaphore(%dma_wait3A_209 : memref<!tpu.dma_semaphore, #tpu.memory_space<semaphore_mem>>) src(%dma_wait3A_215 : memref<256x128xf32, #tpu.memory_space<vmem>>) dst(%dma_wait3A_211 : memref<256x128xf32, #tpu.memory_space<hbm>>)
      } else {
      }
      %parallel_loop3A_174 = arith.constant 0 : i32
      %parallel_loop3A_175 = arith.constant 256 : i32
      %parallel_loop3A_176 = arith.constant 1 : i32
      scf.for %parallel_loop3A_196 = %parallel_loop3A_174 to %parallel_loop3A_175 step %parallel_loop3A_176  : i32 {
        %parallel_loop3A_197 = arith.constant 256 : i32
        %parallel_loop3A_198 = arith.muli %add3A_168, %parallel_loop3A_197 : i32
        %parallel_loop3A_199 = arith.addi %parallel_loop3A_198, %parallel_loop3A_196 : i32
        %parallel_loop3A_200 = vector.broadcast %parallel_loop3A_199 : i32 to vector<16xi32>
        %parallel_loop3A_201 = tpu.vector_load_idx %arg5[%parallel_loop3A_200] : memref<25600xi32, #tpu.memory_space<vmem>>[vector<16xi32>], vector<16xi32>,
        %parallel_loop3A_202 = arith.constant 0 : i32
        %parallel_loop3A_203 = vector.broadcast %parallel_loop3A_202 : i32 to vector<16xi32>
        %parallel_loop3A_204 = arith.cmpi eq, %parallel_loop3A_201, %parallel_loop3A_203 : vector<16xi32>
        %parallel_loop3A_205 = arith.constant 1 : i32
        %parallel_loop3A_206 = vector.broadcast %parallel_loop3A_205 : i32 to vector<16xi32>
        %parallel_loop3A_207 = arith.cmpi eq, %parallel_loop3A_201, %parallel_loop3A_206 : vector<16xi32>
        %parallel_loop3A_208 = arith.select %parallel_loop3A_207, %get3A_37, %get3A_69 : vector<16xi1>, vector<16xf32>
        %parallel_loop3A_209 = arith.select %parallel_loop3A_204, %get3A_5, %parallel_loop3A_208 : vector<16xi1>, vector<16xf32>
        %parallel_loop3A_210 = arith.constant 1 : i32
        %parallel_loop3A_211 = arith.index_cast %parallel_loop3A_210 : i32 to index
        %parallel_loop3A_212 = arith.index_cast %parallel_loop3A_196 : i32 to index
        %parallel_loop3A_213 = arith.constant 0 : index
        %parallel_loop3A_214 = tpu.vector_load %arg7[%parallel_loop3A_211, %parallel_loop3A_212, %parallel_loop3A_213] {strides = array<i32>} : memref<2x256x128xf32, #tpu.memory_space<vmem>>, vector<16xf32>,
        tpu.vector_store %arg7[%parallel_loop3A_211, %parallel_loop3A_212, %parallel_loop3A_213], %parallel_loop3A_209 {strides = array<i32>} : memref<2x256x128xf32, #tpu.memory_space<vmem>>, vector<16xf32>,
        %parallel_loop3A_215 = arith.select %parallel_loop3A_207, %get3A_41, %get3A_73 : vector<16xi1>, vector<16xf32>
        %parallel_loop3A_216 = arith.select %parallel_loop3A_204, %get3A_9, %parallel_loop3A_215 : vector<16xi1>, vector<16xf32>
        %parallel_loop3A_217 = arith.constant 1 : i32
        %parallel_loop3A_218 = arith.index_cast %parallel_loop3A_217 : i32 to index
        %parallel_loop3A_219 = arith.index_cast %parallel_loop3A_196 : i32 to index
        %parallel_loop3A_220 = arith.constant 16 : index
        %parallel_loop3A_221 = tpu.vector_load %arg7[%parallel_loop3A_218, %parallel_loop3A_219, %parallel_loop3A_220] {strides = array<i32>} : memref<2x256x128xf32, #tpu.memory_space<vmem>>, vector<16xf32>,
        tpu.vector_store %arg7[%parallel_loop3A_218, %parallel_loop3A_219, %parallel_loop3A_220], %parallel_loop3A_216 {strides = array<i32>} : memref<2x256x128xf32, #tpu.memory_space<vmem>>, vector<16xf32>,
        %parallel_loop3A_222 = arith.select %parallel_loop3A_207, %get3A_45, %get3A_77 : vector<16xi1>, vector<16xf32>
        %parallel_loop3A_223 = arith.select %parallel_loop3A_204, %get3A_13, %parallel_loop3A_222 : vector<16xi1>, vector<16xf32>
        %parallel_loop3A_224 = arith.constant 1 : i32
        %parallel_loop3A_225 = arith.index_cast %parallel_loop3A_224 : i32 to index
        %parallel_loop3A_226 = arith.index_cast %parallel_loop3A_196 : i32 to index
        %parallel_loop3A_227 = arith.constant 32 : index
        %parallel_loop3A_228 = tpu.vector_load %arg7[%parallel_loop3A_225, %parallel_loop3A_226, %parallel_loop3A_227] {strides = array<i32>} : memref<2x256x128xf32, #tpu.memory_space<vmem>>, vector<16xf32>,
        tpu.vector_store %arg7[%parallel_loop3A_225, %parallel_loop3A_226, %parallel_loop3A_227], %parallel_loop3A_223 {strides = array<i32>} : memref<2x256x128xf32, #tpu.memory_space<vmem>>, vector<16xf32>,
        %parallel_loop3A_229 = arith.select %parallel_loop3A_207, %get3A_49, %get3A_81 : vector<16xi1>, vector<16xf32>
        %parallel_loop3A_230 = arith.select %parallel_loop3A_204, %get3A_17, %parallel_loop3A_229 : vector<16xi1>, vector<16xf32>
        %parallel_loop3A_231 = arith.constant 1 : i32
        %parallel_loop3A_232 = arith.index_cast %parallel_loop3A_231 : i32 to index
        %parallel_loop3A_233 = arith.index_cast %parallel_loop3A_196 : i32 to index
        %parallel_loop3A_234 = arith.constant 48 : index
        %parallel_loop3A_235 = tpu.vector_load %arg7[%parallel_loop3A_232, %parallel_loop3A_233, %parallel_loop3A_234] {strides = array<i32>} : memref<2x256x128xf32, #tpu.memory_space<vmem>>, vector<16xf32>,
        tpu.vector_store %arg7[%parallel_loop3A_232, %parallel_loop3A_233, %parallel_loop3A_234], %parallel_loop3A_230 {strides = array<i32>} : memref<2x256x128xf32, #tpu.memory_space<vmem>>, vector<16xf32>,
        %parallel_loop3A_236 = arith.select %parallel_loop3A_207, %get3A_53, %get3A_85 : vector<16xi1>, vector<16xf32>
        %parallel_loop3A_237 = arith.select %parallel_loop3A_204, %get3A_21, %parallel_loop3A_236 : vector<16xi1>, vector<16xf32>
        %parallel_loop3A_238 = arith.constant 1 : i32
        %parallel_loop3A_239 = arith.index_cast %parallel_loop3A_238 : i32 to index
        %parallel_loop3A_240 = arith.index_cast %parallel_loop3A_196 : i32 to index
        %parallel_loop3A_241 = arith.constant 64 : index
        %parallel_loop3A_242 = tpu.vector_load %arg7[%parallel_loop3A_239, %parallel_loop3A_240, %parallel_loop3A_241] {strides = array<i32>} : memref<2x256x128xf32, #tpu.memory_space<vmem>>, vector<16xf32>,
        tpu.vector_store %arg7[%parallel_loop3A_239, %parallel_loop3A_240, %parallel_loop3A_241], %parallel_loop3A_237 {strides = array<i32>} : memref<2x256x128xf32, #tpu.memory_space<vmem>>, vector<16xf32>,
        %parallel_loop3A_243 = arith.select %parallel_loop3A_207, %get3A_57, %get3A_89 : vector<16xi1>, vector<16xf32>
        %parallel_loop3A_244 = arith.select %parallel_loop3A_204, %get3A_25, %parallel_loop3A_243 : vector<16xi1>, vector<16xf32>
        %parallel_loop3A_245 = arith.constant 1 : i32
        %parallel_loop3A_246 = arith.index_cast %parallel_loop3A_245 : i32 to index
        %parallel_loop3A_247 = arith.index_cast %parallel_loop3A_196 : i32 to index
        %parallel_loop3A_248 = arith.constant 80 : index
        %parallel_loop3A_249 = tpu.vector_load %arg7[%parallel_loop3A_246, %parallel_loop3A_247, %parallel_loop3A_248] {strides = array<i32>} : memref<2x256x128xf32, #tpu.memory_space<vmem>>, vector<16xf32>,
        tpu.vector_store %arg7[%parallel_loop3A_246, %parallel_loop3A_247, %parallel_loop3A_248], %parallel_loop3A_244 {strides = array<i32>} : memref<2x256x128xf32, #tpu.memory_space<vmem>>, vector<16xf32>,
        %parallel_loop3A_250 = arith.select %parallel_loop3A_207, %get3A_61, %get3A_93 : vector<16xi1>, vector<16xf32>
        %parallel_loop3A_251 = arith.select %parallel_loop3A_204, %get3A_29, %parallel_loop3A_250 : vector<16xi1>, vector<16xf32>
        %parallel_loop3A_252 = arith.constant 1 : i32
        %parallel_loop3A_253 = arith.index_cast %parallel_loop3A_252 : i32 to index
        %parallel_loop3A_254 = arith.index_cast %parallel_loop3A_196 : i32 to index
        %parallel_loop3A_255 = arith.constant 96 : index
        %parallel_loop3A_256 = tpu.vector_load %arg7[%parallel_loop3A_253, %parallel_loop3A_254, %parallel_loop3A_255] {strides = array<i32>} : memref<2x256x128xf32, #tpu.memory_space<vmem>>, vector<16xf32>,
        tpu.vector_store %arg7[%parallel_loop3A_253, %parallel_loop3A_254, %parallel_loop3A_255], %parallel_loop3A_251 {strides = array<i32>} : memref<2x256x128xf32, #tpu.memory_space<vmem>>, vector<16xf32>,
        %parallel_loop3A_257 = arith.select %parallel_loop3A_207, %get3A_65, %get3A_97 : vector<16xi1>, vector<16xf32>
        %parallel_loop3A_258 = arith.select %parallel_loop3A_204, %get3A_33, %parallel_loop3A_257 : vector<16xi1>, vector<16xf32>
        %parallel_loop3A_259 = arith.constant 1 : i32
        %parallel_loop3A_260 = arith.index_cast %parallel_loop3A_259 : i32 to index
        %parallel_loop3A_261 = arith.index_cast %parallel_loop3A_196 : i32 to index
        %parallel_loop3A_262 = arith.constant 112 : index
        %parallel_loop3A_263 = tpu.vector_load %arg7[%parallel_loop3A_260, %parallel_loop3A_261, %parallel_loop3A_262] {strides = array<i32>} : memref<2x256x128xf32, #tpu.memory_space<vmem>>, vector<16xf32>,
        tpu.vector_store %arg7[%parallel_loop3A_260, %parallel_loop3A_261, %parallel_loop3A_262], %parallel_loop3A_258 {strides = array<i32>} : memref<2x256x128xf32, #tpu.memory_space<vmem>>, vector<16xf32>,
      } {sc.loop_unroll_factor = 4 : i64, sc.parallel_access}
      %mul3A_177 = arith.constant 256 : i32
      %mul3A_178 = arith.muli %add3A_168, %mul3A_177 : i32
      %add3A_179 = arith.addi %mul3A_2, %mul3A_178 : i32
      %dma_start3A_180 = arith.constant 1 : i32
      %dma_start3A_181 = arith.constant 1 : i32
      %dma_start3A_182 = arith.constant 0 : i32
      %dma_start3A_183 = arith.constant 0 : i32
      %dma_start3A_184 = tpu.memref_slice %arg7[%dma_start3A_180, %dma_start3A_182, %dma_start3A_183] : memref<2x256x128xf32, #tpu.memory_space<vmem>> -> memref<1x256x128xf32, #tpu.memory_space<vmem>>
      %dma_start3A_185 = tpu.memref_squeeze %dma_start3A_184 : memref<1x256x128xf32, #tpu.memory_space<vmem>> -> memref<256x128xf32, #tpu.memory_space<vmem>>
      %dma_start3A_186 = arith.constant 0 : i32
      %dma_start3A_187 = tpu.memref_slice %arg4[%add3A_179, %dma_start3A_186] : memref<819200x128xf32, #tpu.memory_space<hbm>> -> memref<256x128xf32, #tpu.memory_space<hbm>>
      %dma_start3A_188 = tpu.memref_slice %arg8[%dma_start3A_181] : memref<2x!tpu.dma_semaphore, #tpu.memory_space<semaphore_mem>> -> memref<1x!tpu.dma_semaphore, #tpu.memory_space<semaphore_mem>>
      %dma_start3A_189 = tpu.memref_squeeze %dma_start3A_188 : memref<1x!tpu.dma_semaphore, #tpu.memory_space<semaphore_mem>> -> memref<!tpu.dma_semaphore, #tpu.memory_space<semaphore_mem>>
      %dma_start3A_190 = arith.constant 0 : i32
      %dma_start3A_191 = tpu.memref_slice %arg4[%add3A_179, %dma_start3A_190] : memref<819200x128xf32, #tpu.memory_space<hbm>> -> memref<256x128xf32, #tpu.memory_space<hbm>>
      %dma_start3A_192 = arith.constant 0 : i32
      %dma_start3A_193 = arith.constant 0 : i32
      %dma_start3A_194 = tpu.memref_slice %arg7[%dma_start3A_180, %dma_start3A_192, %dma_start3A_193] : memref<2x256x128xf32, #tpu.memory_space<vmem>> -> memref<1x256x128xf32, #tpu.memory_space<vmem>>
      %dma_start3A_195 = tpu.memref_squeeze %dma_start3A_194 : memref<1x256x128xf32, #tpu.memory_space<vmem>> -> memref<256x128xf32, #tpu.memory_space<vmem>>
      tpu.enqueue_dma source(%dma_start3A_195 : memref<256x128xf32, #tpu.memory_space<vmem>>) target(%dma_start3A_191 : memref<256x128xf32, #tpu.memory_space<hbm>>) target_semaphore(%dma_start3A_189 : memref<!tpu.dma_semaphore, #tpu.memory_space<semaphore_mem>>)
    }
    %scan3A_102 = arith.constant 50 : i32
    %add3A_103 = arith.constant 25088 : i32
    %add3A_104 = arith.addi %mul3A_2, %add3A_103 : i32
    %dma_wait3A = arith.constant 0 : i32
    %dma_wait3A_105 = arith.constant 0 : i32
    %dma_wait3A_106 = arith.constant 0 : i32
    %dma_wait3A_107 = arith.constant 0 : i32
    %dma_wait3A_108 = tpu.memref_slice %arg7[%dma_wait3A, %dma_wait3A_106, %dma_wait3A_107] : memref<2x256x128xf32, #tpu.memory_space<vmem>> -> memref<1x256x128xf32, #tpu.memory_space<vmem>>
    %dma_wait3A_109 = tpu.memref_squeeze %dma_wait3A_108 : memref<1x256x128xf32, #tpu.memory_space<vmem>> -> memref<256x128xf32, #tpu.memory_space<vmem>>
    %dma_wait3A_110 = arith.constant 0 : i32
    %dma_wait3A_111 = tpu.memref_slice %arg4[%add3A_104, %dma_wait3A_110] : memref<819200x128xf32, #tpu.memory_space<hbm>> -> memref<256x128xf32, #tpu.memory_space<hbm>>
    %dma_wait3A_112 = tpu.memref_slice %arg8[%dma_wait3A_105] : memref<2x!tpu.dma_semaphore, #tpu.memory_space<semaphore_mem>> -> memref<1x!tpu.dma_semaphore, #tpu.memory_space<semaphore_mem>>
    %dma_wait3A_113 = tpu.memref_squeeze %dma_wait3A_112 : memref<1x!tpu.dma_semaphore, #tpu.memory_space<semaphore_mem>> -> memref<!tpu.dma_semaphore, #tpu.memory_space<semaphore_mem>>
    %dma_wait3A_114 = arith.constant 0 : i32
    %dma_wait3A_115 = tpu.memref_slice %arg4[%add3A_104, %dma_wait3A_114] : memref<819200x128xf32, #tpu.memory_space<hbm>> -> memref<256x128xf32, #tpu.memory_space<hbm>>
    %dma_wait3A_116 = arith.constant 0 : i32
    %dma_wait3A_117 = arith.constant 0 : i32
    %dma_wait3A_118 = tpu.memref_slice %arg7[%dma_wait3A, %dma_wait3A_116, %dma_wait3A_117] : memref<2x256x128xf32, #tpu.memory_space<vmem>> -> memref<1x256x128xf32, #tpu.memory_space<vmem>>
    %dma_wait3A_119 = tpu.memref_squeeze %dma_wait3A_118 : memref<1x256x128xf32, #tpu.memory_space<vmem>> -> memref<256x128xf32, #tpu.memory_space<vmem>>
    tpu.wait_dma2 semaphore(%dma_wait3A_113 : memref<!tpu.dma_semaphore, #tpu.memory_space<semaphore_mem>>) src(%dma_wait3A_119 : memref<256x128xf32, #tpu.memory_space<vmem>>) dst(%dma_wait3A_115 : memref<256x128xf32, #tpu.memory_space<hbm>>)
    %add3A_120 = arith.constant 25344 : i32
    %add3A_121 = arith.addi %mul3A_2, %add3A_120 : i32
    %dma_wait3A_122 = arith.constant 1 : i32
    %dma_wait3A_123 = arith.constant 1 : i32
    %dma_wait3A_124 = arith.constant 0 : i32
    %dma_wait3A_125 = arith.constant 0 : i32
    %dma_wait3A_126 = tpu.memref_slice %arg7[%dma_wait3A_122, %dma_wait3A_124, %dma_wait3A_125] : memref<2x256x128xf32, #tpu.memory_space<vmem>> -> memref<1x256x128xf32, #tpu.memory_space<vmem>>
    %dma_wait3A_127 = tpu.memref_squeeze %dma_wait3A_126 : memref<1x256x128xf32, #tpu.memory_space<vmem>> -> memref<256x128xf32, #tpu.memory_space<vmem>>
    %dma_wait3A_128 = arith.constant 0 : i32
    %dma_wait3A_129 = tpu.memref_slice %arg4[%add3A_121, %dma_wait3A_128] : memref<819200x128xf32, #tpu.memory_space<hbm>> -> memref<256x128xf32, #tpu.memory_space<hbm>>
    %dma_wait3A_130 = tpu.memref_slice %arg8[%dma_wait3A_123] : memref<2x!tpu.dma_semaphore, #tpu.memory_space<semaphore_mem>> -> memref<1x!tpu.dma_semaphore, #tpu.memory_space<semaphore_mem>>
    %dma_wait3A_131 = tpu.memref_squeeze %dma_wait3A_130 : memref<1x!tpu.dma_semaphore, #tpu.memory_space<semaphore_mem>> -> memref<!tpu.dma_semaphore, #tpu.memory_space<semaphore_mem>>
    %dma_wait3A_132 = arith.constant 0 : i32
    %dma_wait3A_133 = tpu.memref_slice %arg4[%add3A_121, %dma_wait3A_132] : memref<819200x128xf32, #tpu.memory_space<hbm>> -> memref<256x128xf32, #tpu.memory_space<hbm>>
    %dma_wait3A_134 = arith.constant 0 : i32
    %dma_wait3A_135 = arith.constant 0 : i32
    %dma_wait3A_136 = tpu.memref_slice %arg7[%dma_wait3A_122, %dma_wait3A_134, %dma_wait3A_135] : memref<2x256x128xf32, #tpu.memory_space<vmem>> -> memref<1x256x128xf32, #tpu.memory_space<vmem>>
    %dma_wait3A_137 = tpu.memref_squeeze %dma_wait3A_136 : memref<1x256x128xf32, #tpu.memory_space<vmem>> -> memref<256x128xf32, #tpu.memory_space<vmem>>
    tpu.wait_dma2 semaphore(%dma_wait3A_131 : memref<!tpu.dma_semaphore, #tpu.memory_space<semaphore_mem>>) src(%dma_wait3A_137 : memref<256x128xf32, #tpu.memory_space<vmem>>) dst(%dma_wait3A_133 : memref<256x128xf32, #tpu.memory_space<hbm>>)
    return
  }
}

</mosaic_0001>

<sc_bundles>
// kernel: kernel.3.cloned.1.call-start
scs
__scs_entry_jumppad:
0x0: {  	(pc) =	sbr.rel $0x88, $3  }
0x1: {  	(tag) =	ssettag $0x0;
	lr =	simm.s32 $0x1  }
0x2: {  	[smem:$0x3F9F] =	sst lr;
	_ =	strace $0xD0000000  }
0x3: {  	_ = 	snop  }
0x4: {  	_ = 	snop  }
0x5: {  	_ = 	snop  }
0x6: {  	_ = 	snop  }
0x7: {  	_ = 	snop  }
__scs_overlays_trampoline_lowered:
0x8: {  	[smem:$0x3FAE] =	sst s0  }
0x9: {  	[smem:$0x3FAF] =	sst s1  }
0xa: {  	[smem:$0x3FB0] =	sst s2  }
0xb: {  	[smem:$0x3FB1] =	sst s3  }
0xc: {  	[smem:$0x3FB2] =	sst s4  }
0xd: {  	[smem:$0x3FB3] =	sst s5  }
0xe: {  	[smem:$0x3FB4] =	sst s6  }
0xf: {  	[smem:$0x3FB5] =	sst s7  }
0x10: {  	[smem:$0x3FB6] =	sst s8  }
0x11: {  	[smem:$0x3FB7] =	sst s9;
	s0 =	simm.s32 @!p0 $0x0  }
0x12: {  	s1 =	sld [smem:$0x3F9D];
	s0 =	simm.s32 @p0 $0x1  }
0x13: {  	[smem:$0x3FB8] =	sst s0;
	s0 =	simm.s32 @!p1 $0x0  }
0x14: {  	s2 =	sld [smem:$0x3F9C];
	s0 =	simm.s32 @p1 $0x1  }
0x15: {  	[smem:$0x3FB9] =	sst s0;
	s0 =	simm.s32 @!p2 $0x0  }
0x16: {  	s3 =	sld [smem:$0x3FDB];
	s0 =	simm.s32 @p2 $0x1  }
0x17: {  	s4 =	simm.s32 $0x1BF5;
	[smem:$0x3FBB] =	sst s0  }
0x18: {  	s0 =	sld [smem:$0x3F9E];
	_ =	swait.ge [sflag:s4], $0x0  }
0x19: {  	s7 =	sld [smem:$0x3F9F]  }
0x1a: {  	s8 =	sadd.s32 $0xFFFFE003, lr  }
0x1b: {  	s9 =	sadd.s32 $0xFFFFFEF7, lr;
	s5 =	simm.s32 $0xFFFFFFFF;
	p2 =	slt.u32 s8, $0xFFFFF086  }
0x1c: {  	p1 =	slt.u32 s9, $0xF7A;
	s5 =	simm.s32 @!p2 $0x0  }
0x1d: {  	s5 =	simm.s32 @p1 $0x1;
	p0 =	seq.s32 s7, s2  }
0x1e: {  	s7 =	smul.u32 @!p0 $0xF7A, s2;
	p2 =	seq.s32 @!p0 s5, $0x0  }
0x1f: {  	s9 =	smul.u32 $0xF7A, s1;
	s8 =	simm.s32 @!p0 $0x1BF5;
	p2 =	por !p2, p0  }
0x20: {  	[sflag:s8] =	ssyncset.s32 @!p0 $0xFFFFF086;
	s6 =	sadd.s32 @!p0 s3, s7;
	s7 =	simm.s32 @!p0 $0x108  }
0x21: {  	s3 =	sadd.s32 s3, s9;
	s6 =	sadd.s32 @!p0 $0x88, s6;
	s7 =	simm.s32 @p2 $0x1082  }
0x22: {  	[simem:s7], [sflag:s8] =	dma.local @!p0 [hbm:s6], $0xF7A  }
0x23: {  	s9 =	sor.u32 $0xD0000000, s2;
	s6 =	simm.s32 $0x108;
	_ =	swait.ge @!p0 [sflag:s8], $0x0  }
0x24: {  	s3 =	sadd.s32 $0x88, s3;
	s6 =	simm.s32 @!p1 $0x1082;
	[sflag:s4] =	ssyncset.s32 $0xFFFFF086  }
0x25: {  	[simem:s6], [sflag:s4] =	dma.local [hbm:s3], $0xF7A  }
0x26: {  	[smem:$0x3F9F] =	sst s1;
	(tag) =	ssettag s2;
	_ =	strace s9  }
0x27: {  	s1 =	sld [smem:$0x3FAF]  }
0x28: {  	s2 =	sld [smem:$0x3FB0]  }
0x29: {  	s4 =	sld [smem:$0x3FB2]  }
0x2a: {  	p0 =	seq.s32 s5, $0x0;
	s5 =	sld [smem:$0x3FB3]  }
0x2b: {  	s6 =	sld [smem:$0x3FB4]  }
0x2c: {  	s7 =	sld [smem:$0x3FB5]  }
0x2d: {  	s3 =	simm.s32 $0x108;
	s8 =	sld [smem:$0x3FB6]  }
0x2e: {  	s3 =	simm.s32 @!p0 $0x1082;
	s9 =	sld [smem:$0x3FB7]  }
0x2f: {  	lr =	sadd.s32 s0, s3;
	s0 =	sld [smem:$0x3FAE]  }
0x30: {  	s3 =	sld [smem:$0x3FB1]  }
0x31: {  	[smem:$0x3FBA] =	sst s10  }
0x32: {  	s10 =	sld [smem:$0x3FB8];
	_ =	sdelay $0x3  }
0x33: {  	p0 =	seq.s32 s10, $0x1;
	s10 =	sld [smem:$0x3FBA];
	_ =	sdelay $0x3  }
0x34: {  	[smem:$0x3FBA] =	sst s10  }
0x35: {  	s10 =	sld [smem:$0x3FB9];
	_ =	sdelay $0x3  }
0x36: {  	p1 =	seq.s32 s10, $0x1;
	s10 =	sld [smem:$0x3FBA];
	_ =	sdelay $0x3  }
0x37: {  	[smem:$0x3FBA] =	sst s10  }
0x38: {  	s10 =	sld [smem:$0x3FBB]  }
0x39: {  	_ = 	snop;
	(pc) =	sbr.ind lr, $3  }
0x3a: {  	_ = 	snop  }
0x3b: {  	_ = 	snop  }
0x3c: {  	p2 =	seq.s32 s10, $0x1;
	s10 =	sld [smem:$0x3FBA]  }
0x3d: {  	_ =	shalt  }
0x3e: {  	_ =	shalt  }
0x3f: {  	_ =	shalt  }
0x40: {  	_ =	shalt  }
0x41: {  	_ =	shalt  }
0x42: {  	_ =	shalt  }
0x43: {  	_ =	shalt  }
0x44: {  	_ =	shalt  }
0x45: {  	_ =	shalt  }
0x46: {  	_ =	shalt  }
0x47: {  	_ =	shalt  }
0x48: {  	_ =	shalt  }
0x49: {  	_ =	shalt  }
0x4a: {  	_ =	shalt  }
0x4b: {  	_ =	shalt  }
0x4c: {  	_ =	shalt  }
0x4d: {  	_ =	shalt  }
0x4e: {  	_ =	shalt  }
0x4f: {  	_ =	shalt  }
0x50: {  	_ =	shalt  }
0x51: {  	_ =	shalt  }
0x52: {  	_ =	shalt  }
0x53: {  	_ =	shalt  }
0x54: {  	_ =	shalt  }
0x55: {  	_ =	shalt  }
0x56: {  	_ =	shalt  }
0x57: {  	_ =	shalt  }
0x58: {  	_ =	shalt  }
0x59: {  	_ =	shalt  }
0x5a: {  	_ =	shalt  }
0x5b: {  	_ =	shalt  }
0x5c: {  	_ =	shalt  }
0x5d: {  	_ =	shalt  }
0x5e: {  	_ =	shalt  }
0x5f: {  	_ =	shalt  }
0x60: {  	_ =	shalt  }
0x61: {  	_ =	shalt  }
0x62: {  	_ =	shalt  }
0x63: {  	_ =	shalt  }
0x64: {  	_ =	shalt  }
0x65: {  	_ =	shalt  }
0x66: {  	_ =	shalt  }
0x67: {  	_ =	shalt  }
0x68: {  	_ =	shalt  }
0x69: {  	_ =	shalt  }
0x6a: {  	_ =	shalt  }
0x6b: {  	_ =	shalt  }
0x6c: {  	_ =	shalt  }
0x6d: {  	_ =	shalt  }
0x6e: {  	_ =	shalt  }
0x6f: {  	_ =	shalt  }
0x70: {  	_ =	shalt  }
0x71: {  	_ =	shalt  }
0x72: {  	_ =	shalt  }
0x73: {  	_ =	shalt  }
0x74: {  	_ =	shalt  }
0x75: {  	_ =	shalt  }
0x76: {  	_ =	shalt  }
0x77: {  	_ =	shalt  }
0x78: {  	_ =	shalt  }
0x79: {  	_ =	shalt  }
0x7a: {  	_ =	shalt  }
0x7b: {  	_ =	shalt  }
0x7c: {  	_ =	shalt  }
0x7d: {  	_ =	shalt  }
0x7e: {  	_ =	shalt  }
0x7f: {  	_ =	shalt  }
0x80: {  	_ =	shalt  }
0x81: {  	_ =	shalt  }
0x82: {  	_ =	shalt  }
0x83: {  	_ =	shalt  }
0x84: {  	_ =	shalt  }
0x85: {  	_ =	shalt  }
0x86: {  	_ =	shalt  }
0x87: {  	_ =	shalt  }
.Lfunc_end0:
.L_simem_size_0:
called_computation_lowered:
.L_overlay_start_0:
0x88: {  	s2 =	sld [smem:$0x3FD9]  }
0x89: {  	s3 =	sld [smem:$0x3FFE];
	_ =	sdelay $0x1  }
0x8a: {  	s1 =	srdreg.scid  }
0x8b: {  	s0 =	sand.u32 $0x1, s1  }
0x8c: {  	s17 =	sshll.u32 s0, $0xA;
	s2 =	sadd.s32 s3, s2  }
0x8d: {  	s2 =	sadd.s32 s2, s17  }
0x8e: {  	[smem:$0x3FC6] =	sst s2  }
0x8f: {  	_ = 	snop  }
0x90: {  	s2 =	sld [smem:$0x3FC8]  }
0x91: {  	s18 =	sld [smem:$0x3FD0];
	(tm) =	ssettm $0x1  }
0x92: {  	s4 =	sld [smem:$0x3FFB];
	_ =	sdelay $0x3  }
0x93: {  	_ =	strace s4  }
0x94: {  	s4 =	sld [smem:$0x3FFC];
	_ =	sdelay $0x3  }
0x95: {  	_ =	strace s4  }
0x96: {  	s4 =	sld [smem:$0x3FFD];
	_ =	sdelay $0x3  }
0x97: {  	_ =	strace s4  }
0x98: {  	_ =	strace $0x8FFFFFFF  }
0x99: {  	s19 =	sld [smem:$0x3FDB];
	_ =	sdelay $0x1  }
0x9a: {  	s5 =	simm.s32 $_scs_section_size  }
0x9b: {  	s6 =	simm.s32 $_size__tile_overlayer_lowered;
	s7 =	simm.s32 $_tile_overlayer_lowered  }
0x9c: {  	s22 =	simm.s32 $0x1BFF;
	s21 =	sshll.u32 s7, $0x1;
	s4 =	sadd.s32 s5, s19  }
0x9d: {  	s8 =	simm.s32 $0x0;
	s20 =	sshll.u32 s6, $0x1;
	s6 =	sadd.s32 s21, s4  }
0x9e: {  	[timem:s8], [sflag:s22] =	dma.local [hbm:s6], s20  }
0x9f: {  	_ =	swait.ge [sflag:s22], s20  }
0xa0: {  	s5 =	ssub.s32 $0x0, s20;
	[sflag:s22] =	ssyncset.done $0x0  }
0xa1: {  	[sflag:s22] =	ssyncadd.s32 s5;
	_ =	sdelay $0x1  }
0xa2: {  	s23 =	simm.s32 $0x1B8B  }
0xa3: {  	_ =	swait.ge [sflag:s23], $0x1  }
0xa4: {  	[sflag:s23] =	ssyncset.done $0x0  }
0xa5: {  	s25 =	simm.s32 $0x1B8E;
	s24 =	sld [smem:$0x3FFE];
	[sflag:s23] =	ssyncadd.s32 $0xFFFFFFFF  }
0xa6: {  	s26 =	simm.s32 $execute0_lowered;
	[smem:$0x3FD2] =	sst s25  }
0xa7: {  	s6 =	sshll.u32 s26, $0x1;
	_ =	strace $0x80000046;
	[dreg:$0x1] =	wrdreg $0xFFFFFFFF  }
0xa8: {  	s28 =	simm.s32 $_size_execute0_lowered;
	s4 =	sadd.s32 s4, s6;
	[dreg:$0x0] =	wrdreg $0x0  }
0xa9: {  	s6 =	sshll.u32 s28, $0x1;
	[dreg:$0x2] =	wrdreg s4  }
0xaa: {  	[dreg:$0x3] =	wrdreg s6  }
0xab: {  	[dreg:$0x4] =	wrdreg $0xC0  }
0xac: {  	_ =	task [dreg:s8], $0x5FFFF  }
0xad: {  	[dreg:$0x1] =	wrdreg $0xFFFFFFFF  }
0xae: {  	[dreg:$0x0] =	wrdreg $0x60  }
0xaf: {  	[dreg:$0x2] =	wrdreg s2  }
0xb0: {  	[dreg:$0x3] =	wrdreg s24  }
0xb1: {  	[dreg:$0x4] =	wrdreg s18  }
0xb2: {  	[dreg:$0x5] =	wrdreg $0x9  }
0xb3: {  	_ =	task.clear_ibuf [dreg:s8], $0x6FFFF;
	_ =	strace $0x90000046  }
0xb4: {  	s29 =	simm.s32 $0x9;
	_ =	strace $0x80000048  }
0xb5: {  	_ =	swait.ge [sflag:s29], $0x1  }
0xb6: {  	[sflag:s29] =	ssyncadd.s32 $0xFFFFFFFF  }
0xb7: {  	_ =	strace $0x90000048  }
0xb8: {  	_ =	sfence  }
0xb9: {  	s30 =	sld [smem:$0x0];
	_ =	sdelay $0x2  }
0xba: {  	s31 =	sshll.u32 s1, $0xD;
	s1 =	sshrl.u32 s1, $0x2  }
0xbb: {  	s3 =	sand.u32 $0x4000, s31;
	s1 =	sadd.s32 s1, s30  }
0xbc: {  	s0 =	sor.u32 s3, s0;
	s1 =	sshll.u32 s1, $0x11  }
0xbd: {  	s0 =	sor.u32 s1, s0  }
0xbe: {  	s0 =	sadd.s32 $0x8F2B, s0  }
0xbf: {  	[sflag:s0] =	ssyncadd.remote.s32 $0x1  }
0xc0: {  	_ =	sfence.sel $0xFFFF  }
0xc1: {  	[dreg:$0x0] =	wrdreg $0xFFFFFFFF;
	(pc) =	sbr.abs _section_cstart, $3  }
0xc2: {  	[dreg:$0x1] =	wrdreg $0xFFFFFFFF  }
0xc3: {  	_ =	task.clear_ibuf [dreg:s8], $0x2FFFF;
	_ =	strace $0x9FFFFFFF  }
0xc4: {  	(tm) =	ssettm $0x7FFFFFFF  }
0xc5: {  	_ =	shalt  }
tec
execute0_lowered:
.L_overlay_start_1:
0x0: {  	(tag) =	ssettag $0x1  }
0x1: {  	s1 =	rddreg [dreg:$0x0]  }
0x2: {  	s2 =	srdreg.scid;
	s6 =	rddreg [dreg:$0x1]  }
0x3: {  	s0 =	stileid.u32;
	s3 =	rddreg [dreg:$0x2];
	s4 =	simm.s32 $0x0  }
0x4: {  	s9 =	simm.s32 $0x6400;
	s5 =	sand.u32 $0x1, s2;
	s30 =	sshll.u32 s0, $0x1  }
0x5: {  	s10 =	simm.s32 $0x6600;
	s11 =	simm.s32 $0xE600;
	s7 =	sor.u32 s5, s30  }
0x6: {  	s12 =	simm.s32 $0x1;
	s13 =	simm.s32 $0x2;
	s8 =	smul.u32 $0xC80, s7  }
0x7: {  	s14 =	simm.s32 $0x0;
	s2 =	rddreg [dreg:$0x3];
	s5 =	ssub.s32 $0x2, s5  }
0x8: {  	[smem:$0x7FF] =	sst s4;
	s31 =	sshrl.u32 s5, $0x1;
	s6 =	sadd.s32 s8, s6  }
0x9: {  	_ =	strace $0x80000047;
	s8 =	ssub.s32 s5, s31;
	s5 =	sadd.s32 $0x400, s6  }
0xa: {  	s6 =	smul.u32 $0x320000, s7;
	s7 =	smax.u32 s8, $0x1;
	s8 =	simm.s32 $0x3  }
.LBB2_1:
0xb: {  	[tilespmem:s4], [sflag:$0x3] =	stream.linear.gather [hbm4b:s5+s4], $0x6400, $0x38;
	[tilespmem:$0x16600] =	vst v63  }
0xc: {  	_ =	swait.ge [sflag:s8], $0x6400  }
0xd: {  	[sflag:s8] =	ssyncset.done $0x0  }
0xe: {  	[sflag:s8] =	ssyncadd.s32 $0xFFFF9C00  }
0xf: {  	[tilespmem:s9], [sflag:$0x3] =	stream.linear.gather [hbm4b:s1+s4], $0x180, $0x38;
	[tilespmem:$0x16600] =	vst v63  }
0x10: {  	_ =	swait.ge [sflag:s8], $0x180  }
0x11: {  	[sflag:s8] =	ssyncset.done $0x0  }
0x12: {  	[sflag:s8] =	ssyncadd.s32 $0xFFFFFE80  }
0x13: {  	v0 =	vld [tilespmem:$0x6400]  }
0x14: {  	v1 =	vld [tilespmem:$0x6410]  }
0x15: {  	v2 =	vld [tilespmem:$0x6420]  }
0x16: {  	v3 =	vld [tilespmem:$0x6430]  }
0x17: {  	v4 =	vld [tilespmem:$0x6440]  }
0x18: {  	v5 =	vld [tilespmem:$0x6450]  }
0x19: {  	v6 =	vld [tilespmem:$0x6460]  }
0x1a: {  	v7 =	vld [tilespmem:$0x6470]  }
0x1b: {  	v8 =	vld [tilespmem:$0x6480]  }
0x1c: {  	v9 =	vld [tilespmem:$0x6490]  }
0x1d: {  	v10 =	vld [tilespmem:$0x64A0]  }
0x1e: {  	v11 =	vld [tilespmem:$0x64B0]  }
0x1f: {  	v12 =	vld [tilespmem:$0x64C0]  }
0x20: {  	v13 =	vld [tilespmem:$0x64D0]  }
0x21: {  	v14 =	vld [tilespmem:$0x64E0]  }
0x22: {  	v15 =	vld [tilespmem:$0x64F0]  }
0x23: {  	v16 =	vld [tilespmem:$0x6500]  }
0x24: {  	v17 =	vld [tilespmem:$0x6510]  }
0x25: {  	v18 =	vld [tilespmem:$0x6520]  }
0x26: {  	v19 =	vld [tilespmem:$0x6530]  }
0x27: {  	v20 =	vld [tilespmem:$0x6540]  }
0x28: {  	v21 =	vld [tilespmem:$0x6550]  }
0x29: {  	v22 =	vld [tilespmem:$0x6560]  }
0x2a: {  	s15 =	simm.s32 $0x0;
	s16 =	simm.s32 $0x0;
	v23 =	vld [tilespmem:$0x6570]  }
.LBB2_2:
0x2b: {  	s17 =	sadd.s32 $0xFFFFFFFC, s15  }
0x2c: {  	s18 =	sadd.s32 $0x6, s17  }
0x2d: {  	s19 =	sadd.s32 $0x4, s17;
	s31 =	sadd.s32 $0x5, s17;
	v24 =	vmov s18  }
0x2e: {  	s17 =	sadd.s32 $0x7, s17;
	v25 =	vmov s19;
	v26 =	vmov s31;
	v24 =	vand.u32 $0xFFFFFFFE, v24  }
0x2f: {  	p0 =	seq.s32 s16, $0x0;
	v27 =	vmov s17;
	v25 =	vand.u32 $0xFFFFFFFC, v25;
	v24 =	vbroadcast v24, $0x0  }
0x30: {  	s18 =	simm.s32 @!p0 $0x1;
	v26 =	vand.u32 $0xFFFFFFFD, v26;
	v25 =	vbroadcast v25, $0x0  }
0x31: {  	_ =	swait.ge @!p0 [sflag:s18], $0x8000;
	v26 =	vbroadcast v26, $0x0  }
0x32: {  	[sflag:s18] =	ssyncset.done @!p0 $0x0  }
0x33: {  	[sflag:s18] =	ssyncadd.s32 @!p0 $0xFFFF8000  }
0x34: {  	v47 =	vld.idx.msk [tilespmem:v27+s4+$0x0], $0xffff  }
0x35: {  	v24 =	vld.idx.msk [tilespmem:v24+s4+$0x0], $0xffff  }
0x36: {  	v25 =	vld.idx.msk [tilespmem:v25+s4+$0x0], $0xffff  }
0x37: {  	v26 =	vld.idx.msk [tilespmem:v26+s4+$0x0], $0xffff;
	_ =	sdelay $0x1  }
0x38: {  	vm4 =	veq.s32 v47, $0x1  }
0x39: {  	v36 =	vsel vm4, v8, v16;
	v33 =	vsel vm4, v9, v17;
	v32 =	vsel vm4, v10, v18  }
0x3a: {  	v30 =	vsel vm4, v11, v19;
	v27 =	vsel vm4, v12, v20;
	vm1 =	veq.s32 v24, $0x1  }
0x3b: {  	vm2 =	veq.s32 v25, $0x1;
	vm0 =	veq.s32 v24, $0x0;
	vm3 =	veq.s32 v26, $0x1  }
0x3c: {  	v24 =	vsel vm1, v15, v23;
	v48 =	vsel vm2, v8, v16;
	v50 =	vsel vm2, v9, v17  }
0x3d: {  	v51 =	vsel vm2, v10, v18;
	v53 =	vsel vm2, v11, v19;
	v54 =	vsel vm2, v12, v20  }
0x3e: {  	v55 =	vsel vm2, v13, v21;
	v56 =	vsel vm2, v14, v22;
	v57 =	vsel vm2, v15, v23  }
0x3f: {  	v44 =	vsel vm3, v8, v16;
	v46 =	vsel vm3, v9, v17;
	v45 =	vsel vm3, v10, v18  }
0x40: {  	v41 =	vsel vm3, v11, v19;
	v43 =	vsel vm3, v12, v20;
	v42 =	vsel vm3, v13, v21  }
0x41: {  	v40 =	vsel vm3, v14, v22;
	v39 =	vsel vm3, v15, v23;
	v37 =	vsel vm1, v8, v16  }
0x42: {  	v34 =	vsel vm1, v9, v17;
	v38 =	vsel vm1, v10, v18;
	v31 =	vsel vm1, v11, v19  }
0x43: {  	v28 =	vsel vm1, v12, v20;
	vm3 =	veq.s32 v25, $0x0;
	v35 =	vsel vm1, v13, v21  }
0x44: {  	v29 =	vsel vm1, v14, v22;
	vm2 =	veq.s32 v26, $0x0;
	v26 =	vsel vm4, v13, v21  }
0x45: {  	s19 =	simm.s32 $0x6700;
	v25 =	vsel vm4, v14, v22;
	vm1 =	veq.s32 v47, $0x0;
	v49 =	vsel vm0, v7, v24  }
0x46: {  	v24 =	vsel vm4, v15, v23;
	v48 =	vsel vm3, v0, v48;
	v50 =	vsel vm3, v1, v50;
	[tilespmem:s19+$0x70] =	vst v49  }
0x47: {  	v52 =	vsel vm3, v2, v51;
	v51 =	vsel vm3, v3, v53;
	v47 =	vsel vm3, v7, v57;
	[tilespmem:s19+$0xFFFFFF00] =	vst v48  }
0x48: {  	s20 =	simm.s32 $0x0;
	s17 =	sshll.u32 s16, $0x1;
	s18 =	simm.s32 $0x6700;
	v49 =	vsel vm3, v4, v54;
	[tilespmem:s19+$0xFFFFFF10] =	vst v50;
	v50 =	vsel vm3, v5, v55;
	v48 =	vsel vm3, v6, v56  }
.LBB2_3:
0x49: {  	s21 =	sadd.s32 s20, s15;
	s20 =	sadd.s32 $0x4, s20;
	[tilespmem:s19+$0xFFFFFF20] =	vst v52;
	v44 =	vsel vm2, v0, v44;
	v46 =	vsel vm2, v1, v46;
	v45 =	vsel vm2, v2, v45  }
0x4a: {  	v41 =	vsel vm2, v3, v41;
	v43 =	vsel vm2, v4, v43;
	v42 =	vsel vm2, v5, v42;
	s22 =	sadd.s32 $0x4, s21;
	s23 =	sadd.s32 $0x6, s21;
	p1 =	slt.u32 s20, $0xFC;
	[tilespmem:s19+$0xFFFFFF30] =	vst v51  }
0x4b: {  	v40 =	vsel vm2, v6, v40;
	v51 =	vmov s22;
	s22 =	sadd.s32 $0x5, s21;
	v52 =	vmov s23;
	s21 =	sadd.s32 $0x7, s21;
	[tilespmem:s19+$0xFFFFFF40] =	vst v49  }
0x4c: {  	v49 =	vand.u32 $0xFFFFFFFC, v51;
	v51 =	vmov s22;
	v52 =	vand.u32 $0xFFFFFFFE, v52;
	[tilespmem:s19+$0xFFFFFF50] =	vst v50  }
0x4d: {  	v49 =	vbroadcast v49, $0x0;
	v50 =	vand.u32 $0xFFFFFFFD, v51;
	v51 =	vbroadcast v52, $0x0;
	[tilespmem:s19+$0xFFFFFF60] =	vst v48  }
0x4e: {  	v39 =	vsel vm2, v7, v39;
	v48 =	vbroadcast v50, $0x0;
	v50 =	vmov s21;
	[tilespmem:s19+$0xFFFFFF70] =	vst v47  }
0x4f: {  	v37 =	vsel vm0, v0, v37;
	v34 =	vsel vm0, v1, v34;
	v38 =	vsel vm0, v2, v38;
	[tilespmem:s19+$0xFFFFFF80] =	vst v44  }
0x50: {  	v31 =	vsel vm0, v3, v31;
	v28 =	vsel vm0, v4, v28;
	v35 =	vsel vm0, v5, v35;
	[tilespmem:s19+$0xFFFFFF90] =	vst v46  }
0x51: {  	v29 =	vsel vm0, v6, v29;
	v36 =	vsel vm1, v0, v36;
	v33 =	vsel vm1, v1, v33;
	[tilespmem:s19+$0xFFFFFFA0] =	vst v45  }
0x52: {  	v32 =	vsel vm1, v2, v32;
	v30 =	vsel vm1, v3, v30;
	v27 =	vsel vm1, v4, v27;
	[tilespmem:s19+$0xFFFFFFB0] =	vst v41  }
0x53: {  	v26 =	vsel vm1, v5, v26;
	v47 =	vsel vm1, v6, v25;
	v41 =	vld.idx.msk [tilespmem:v51+s4+$0x0], $0xffff;
	v51 =	vsel vm1, v7, v24  }
0x54: {  	v24 =	vld.idx.msk [tilespmem:v49+s4+$0x0], $0xffff;
	[tilespmem:s19+$0xFFFFFFC0] =	vst v43  }
0x55: {  	v25 =	vld.idx.msk [tilespmem:v48+s4+$0x0], $0xffff;
	[tilespmem:s19+$0xFFFFFFD0] =	vst v42  }
0x56: {  	v48 =	vld.idx.msk [tilespmem:v50+s4+$0x0], $0xffff;
	[tilespmem:s19+$0xFFFFFFE0] =	vst v40  }
0x57: {  	[tilespmem:s19+$0xFFFFFFF0] =	vst v39  }
0x58: {  	[tilespmem:s19+$0x0] =	vst v37  }
0x59: {  	vm1 =	veq.s32 v41, $0x1;
	[tilespmem:s19+$0x10] =	vst v34  }
0x5a: {  	vm0 =	veq.s32 v41, $0x0;
	vm2 =	veq.s32 v24, $0x1;
	v34 =	vsel vm1, v15, v23;
	[tilespmem:s19+$0x20] =	vst v38  }
0x5b: {  	v49 =	vsel vm2, v8, v16;
	vm4 =	veq.s32 v25, $0x1;
	v34 =	vsel vm0, v7, v34;
	s19 =	sadd.s32 $0x200, s19;
	[tilespmem:s18+$0x30] =	vst v31  }
0x5c: {  	v50 =	vsel vm2, v9, v17;
	v52 =	vsel vm2, v10, v18;
	vm3 =	veq.s32 v48, $0x1;
	[tilespmem:s19+$0x70] =	vst v34  }
0x5d: {  	v53 =	vsel vm2, v11, v19;
	v54 =	vsel vm2, v12, v20;
	v55 =	vsel vm2, v13, v21;
	[tilespmem:s18+$0x40] =	vst v28  }
0x5e: {  	v56 =	vsel vm2, v14, v22;
	v57 =	vsel vm2, v15, v23;
	v44 =	vsel vm4, v8, v16;
	[tilespmem:s18+$0x50] =	vst v35  }
0x5f: {  	v46 =	vsel vm4, v9, v17;
	v45 =	vsel vm4, v10, v18;
	v41 =	vsel vm4, v11, v19;
	[tilespmem:s18+$0x60] =	vst v29  }
0x60: {  	v43 =	vsel vm4, v12, v20;
	v42 =	vsel vm4, v13, v21;
	v40 =	vsel vm4, v14, v22;
	[tilespmem:s18+$0x80] =	vst v36  }
0x61: {  	v37 =	vsel vm1, v8, v16;
	v39 =	vsel vm4, v15, v23;
	v34 =	vsel vm1, v9, v17;
	[tilespmem:s18+$0x90] =	vst v33  }
0x62: {  	v38 =	vsel vm1, v10, v18;
	v31 =	vsel vm1, v11, v19;
	v28 =	vsel vm1, v12, v20;
	[tilespmem:s18+$0xA0] =	vst v32  }
0x63: {  	vm4 =	veq.s32 v24, $0x0;
	v35 =	vsel vm1, v13, v21;
	v29 =	vsel vm1, v14, v22;
	[tilespmem:s18+$0xB0] =	vst v30  }
0x64: {  	vm2 =	veq.s32 v25, $0x0;
	v36 =	vsel vm3, v8, v16;
	v33 =	vsel vm3, v9, v17;
	[tilespmem:s18+$0xC0] =	vst v27  }
.Ltmp0:
0x65: {  	v32 =	vsel vm3, v10, v18;
	v30 =	vsel vm3, v11, v19;
	v27 =	vsel vm3, v12, v20;
	[tilespmem:s18+$0xD0] =	vst v26;
	(pc) =	sbr.rel @p1 .LBB2_3-.Ltmp0, $4  }
0x66: {  	v25 =	vsel vm3, v14, v22;
	v24 =	vsel vm3, v15, v23;
	v26 =	vsel vm3, v13, v21;
	[tilespmem:s18+$0xE0] =	vst v47  }
0x67: {  	v50 =	vsel vm4, v1, v50;
	vm1 =	veq.s32 v48, $0x0;
	v47 =	vsel vm4, v0, v49;
	[tilespmem:s18+$0xF0] =	vst v51;
	s18 =	smov.u32 s19  }
0x68: {  	v52 =	vsel vm4, v2, v52;
	v49 =	vsel vm4, v4, v54;
	v51 =	vsel vm4, v3, v53;
	[tilespmem:s19+$0xFFFFFF00] =	vst v47  }
0x69: {  	v48 =	vsel vm4, v6, v56;
	v47 =	vsel vm4, v7, v57;
	[tilespmem:s19+$0xFFFFFF10] =	vst v50;
	v50 =	vsel vm4, v5, v55  }
0x6a: {  	[tilespmem:s19+$0xFFFFFF20] =	vst v52  }
0x6b: {  	[tilespmem:s19+$0xFFFFFF30] =	vst v51  }
0x6c: {  	[tilespmem:s19+$0xFFFFFF40] =	vst v49  }
0x6d: {  	[tilespmem:s19+$0xFFFFFF50] =	vst v50  }
0x6e: {  	[tilespmem:s19+$0xFFFFFF60] =	vst v48  }
0x6f: {  	v44 =	vsel vm2, v0, v44;
	[tilespmem:s19+$0xFFFFFF70] =	vst v47  }
0x70: {  	v46 =	vsel vm2, v1, v46;
	[tilespmem:s19+$0xFFFFFF80] =	vst v44  }
0x71: {  	v57 =	vsel vm2, v2, v45;
	[tilespmem:s19+$0xFFFFFF90] =	vst v46  }
0x72: {  	v41 =	vsel vm2, v3, v41;
	[tilespmem:s19+$0xFFFFFFA0] =	vst v57  }
0x73: {  	v43 =	vsel vm2, v4, v43;
	[tilespmem:s19+$0xFFFFFFB0] =	vst v41  }
0x74: {  	v58 =	vsel vm2, v5, v42;
	[tilespmem:s19+$0xFFFFFFC0] =	vst v43  }
0x75: {  	v40 =	vsel vm2, v6, v40;
	[tilespmem:s19+$0xFFFFFFD0] =	vst v58  }
0x76: {  	v39 =	vsel vm2, v7, v39;
	[tilespmem:s19+$0xFFFFFFE0] =	vst v40  }
0x77: {  	v37 =	vsel vm0, v0, v37;
	[tilespmem:s19+$0xFFFFFFF0] =	vst v39  }
0x78: {  	v34 =	vsel vm0, v1, v34;
	[tilespmem:s19+$0x0] =	vst v37  }
0x79: {  	v59 =	vsel vm0, v2, v38;
	[tilespmem:s19+$0x10] =	vst v34  }
0x7a: {  	v27 =	vsel vm1, v4, v27;
	[tilespmem:s19+$0x20] =	vst v59  }
0x7b: {  	v26 =	vsel vm1, v5, v26;
	[tilespmem:s18+$0xC0] =	vst v27  }
0x7c: {  	v25 =	vsel vm1, v6, v25;
	[tilespmem:s18+$0xD0] =	vst v26  }
0x7d: {  	v24 =	vsel vm1, v7, v24;
	[tilespmem:s18+$0xE0] =	vst v25  }
0x7e: {  	v31 =	vsel vm0, v3, v31;
	[tilespmem:s18+$0xF0] =	vst v24  }
0x7f: {  	v28 =	vsel vm0, v4, v28;
	[tilespmem:s18+$0x30] =	vst v31  }
0x80: {  	v31 =	vsel vm0, v5, v35;
	[tilespmem:s18+$0x40] =	vst v28  }
0x81: {  	s29 =	sadd.s32 $0xFFFFFFFC, s15;
	v28 =	vsel vm0, v6, v29;
	[tilespmem:s18+$0x50] =	vst v31  }
0x82: {  	s21 =	sadd.s32 $0x106, s29;
	v29 =	vsel vm1, v0, v36;
	[tilespmem:s18+$0x60] =	vst v28  }
0x83: {  	s20 =	sshll.u32 s16, $0x10;
	s22 =	sadd.s32 $0x104, s29;
	v26 =	vmov s21;
	v28 =	vsel vm1, v1, v33;
	[tilespmem:s18+$0x80] =	vst v29  }
0x84: {  	s20 =	sadd.s32 s6, s20;
	v25 =	vmov s22;
	v29 =	vsel vm1, v2, v32;
	v26 =	vand.u32 $0xFFFFFFFE, v26;
	[tilespmem:s18+$0x90] =	vst v28  }
0x85: {  	s30 =	sadd.s32 $0x105, s29;
	s20 =	sshrl.u32 s20, $0x3;
	v24 =	vand.u32 $0xFFFFFFFC, v25;
	v28 =	vsel vm1, v3, v30;
	[tilespmem:s18+$0xA0] =	vst v29;
	v26 =	vbroadcast v26, $0x0  }
0x86: {  	s19 =	sadd.s32 $0x107, s29;
	s31 =	sadd.s32 s3, s20;
	v25 =	vmov s30;
	v24 =	vbroadcast v24, $0x0;
	[tilespmem:s18+$0xB0] =	vst v28;
	s18 =	simm.s32 @!p0 $0x2  }
0x87: {  	v25 =	vand.u32 $0xFFFFFFFD, v25;
	[hbm4b:s31+s4] =	stream.linear.scatter [tilespmem:s10], [sflag:$0x1], $0x8000, $0x38;
	[tilespmem:$0x16600] =	vst v63  }
0x88: {  	v27 =	vmov s19;
	v25 =	vbroadcast v25, $0x0;
	_ =	swait.ge @!p0 [sflag:s18], $0x8000  }
0x89: {  	[sflag:s18] =	ssyncset.done @!p0 $0x0  }
0x8a: {  	[sflag:s18] =	ssyncadd.s32 @!p0 $0xFFFF8000  }
0x8b: {  	v26 =	vld.idx.msk [tilespmem:v26+s4+$0x0], $0xffff  }
0x8c: {  	v24 =	vld.idx.msk [tilespmem:v24+s4+$0x0], $0xffff  }
0x8d: {  	v47 =	vld.idx.msk [tilespmem:v27+s4+$0x0], $0xffff  }
0x8e: {  	v25 =	vld.idx.msk [tilespmem:v25+s4+$0x0], $0xffff;
	_ =	sdelay $0x2  }
0x8f: {  	vm1 =	veq.s32 v26, $0x1  }
0x90: {  	vm2 =	veq.s32 v24, $0x1;
	vm0 =	veq.s32 v26, $0x0;
	vm4 =	veq.s32 v47, $0x1  }
0x91: {  	v26 =	vsel vm1, v15, v23;
	v60 =	vsel vm2, v8, v16;
	vm3 =	veq.s32 v25, $0x1  }
0x92: {  	v62 =	vsel vm2, v9, v17;
	v63 =	vsel vm2, v10, v18;
	v53 =	vsel vm2, v11, v19  }
0x93: {  	v54 =	vsel vm2, v12, v20;
	v55 =	vsel vm2, v13, v21;
	v56 =	vsel vm2, v14, v22  }
0x94: {  	v57 =	vsel vm2, v15, v23;
	v37 =	vsel vm1, v8, v16;
	v34 =	vsel vm1, v9, v17  }
0x95: {  	v38 =	vsel vm1, v10, v18;
	v31 =	vsel vm1, v11, v19;
	v28 =	vsel vm1, v12, v20  }
0x96: {  	v35 =	vsel vm1, v13, v21;
	v29 =	vsel vm1, v14, v22;
	vm2 =	veq.s32 v25, $0x0  }
0x97: {  	v36 =	vsel vm4, v8, v16;
	v33 =	vsel vm4, v9, v17;
	v32 =	vsel vm4, v10, v18  }
0x98: {  	v30 =	vsel vm4, v11, v19;
	v27 =	vsel vm4, v13, v21;
	v25 =	vsel vm4, v14, v22  }
0x99: {  	vm1 =	veq.s32 v47, $0x0;
	v61 =	vsel vm0, v7, v26;
	v44 =	vsel vm3, v8, v16  }
0x9a: {  	v46 =	vsel vm3, v9, v17;
	v45 =	vsel vm3, v10, v18;
	v41 =	vsel vm3, v11, v19  }
0x9b: {  	v43 =	vsel vm3, v12, v20;
	v42 =	vsel vm3, v13, v21;
	v40 =	vsel vm3, v14, v22  }
0x9c: {  	s19 =	simm.s32 $0xE7F0;
	v39 =	vsel vm3, v15, v23;
	vm3 =	veq.s32 v24, $0x0;
	v26 =	vsel vm4, v12, v20  }
0x9d: {  	v24 =	vsel vm4, v15, v23;
	[tilespmem:s19+$0xFFFFFF80] =	vst v61;
	v48 =	vsel vm3, v0, v60;
	v50 =	vsel vm3, v1, v62  }
0x9e: {  	v52 =	vsel vm3, v2, v63;
	v51 =	vsel vm3, v3, v53;
	v49 =	vsel vm3, v4, v54;
	[tilespmem:s19+$0xFFFFFE10] =	vst v48  }
0x9f: {  	s20 =	simm.s32 $0x0;
	s18 =	sor.u32 $0x1, s17;
	s17 =	simm.s32 $0xE7F0;
	v47 =	vsel vm3, v7, v57;
	[tilespmem:s19+$0xFFFFFE20] =	vst v50;
	v50 =	vsel vm3, v5, v55;
	v48 =	vsel vm3, v6, v56  }
.LBB2_5:
0xa0: {  	s21 =	sadd.s32 s20, s15;
	s20 =	sadd.s32 $0x4, s20;
	[tilespmem:s19+$0xFFFFFE30] =	vst v52;
	v44 =	vsel vm2, v0, v44;
	v46 =	vsel vm2, v1, v46;
	v45 =	vsel vm2, v2, v45  }
0xa1: {  	v41 =	vsel vm2, v3, v41;
	v43 =	vsel vm2, v4, v43;
	v42 =	vsel vm2, v5, v42;
	s22 =	sadd.s32 $0x104, s21;
	s23 =	sadd.s32 $0x106, s21;
	p0 =	slt.u32 s20, $0xFC;
	[tilespmem:s19+$0xFFFFFE40] =	vst v51  }
0xa2: {  	v40 =	vsel vm2, v6, v40;
	v51 =	vmov s22;
	s22 =	sadd.s32 $0x105, s21;
	v52 =	vmov s23;
	s21 =	sadd.s32 $0x107, s21;
	[tilespmem:s19+$0xFFFFFE50] =	vst v49  }
0xa3: {  	v49 =	vand.u32 $0xFFFFFFFC, v51;
	v51 =	vmov s22;
	v52 =	vand.u32 $0xFFFFFFFE, v52;
	[tilespmem:s19+$0xFFFFFE60] =	vst v50  }
0xa4: {  	v49 =	vbroadcast v49, $0x0;
	v50 =	vand.u32 $0xFFFFFFFD, v51;
	v51 =	vbroadcast v52, $0x0;
	[tilespmem:s19+$0xFFFFFE70] =	vst v48  }
0xa5: {  	v39 =	vsel vm2, v7, v39;
	v48 =	vbroadcast v50, $0x0;
	v50 =	vmov s21;
	[tilespmem:s19+$0xFFFFFE80] =	vst v47  }
0xa6: {  	v37 =	vsel vm0, v0, v37;
	v34 =	vsel vm0, v1, v34;
	v38 =	vsel vm0, v2, v38;
	[tilespmem:s19+$0xFFFFFE90] =	vst v44  }
0xa7: {  	v31 =	vsel vm0, v3, v31;
	v28 =	vsel vm0, v4, v28;
	v35 =	vsel vm0, v5, v35;
	[tilespmem:s19+$0xFFFFFEA0] =	vst v46  }
0xa8: {  	v29 =	vsel vm0, v6, v29;
	v36 =	vsel vm1, v0, v36;
	v33 =	vsel vm1, v1, v33;
	[tilespmem:s19+$0xFFFFFEB0] =	vst v45  }
0xa9: {  	v32 =	vsel vm1, v2, v32;
	v30 =	vsel vm1, v3, v30;
	v26 =	vsel vm1, v4, v26;
	[tilespmem:s19+$0xFFFFFEC0] =	vst v41  }
0xaa: {  	v27 =	vsel vm1, v5, v27;
	v47 =	vsel vm1, v6, v25;
	v41 =	vld.idx.msk [tilespmem:v51+s4+$0x0], $0xffff;
	v51 =	vsel vm1, v7, v24  }
0xab: {  	v24 =	vld.idx.msk [tilespmem:v49+s4+$0x0], $0xffff;
	[tilespmem:s19+$0xFFFFFED0] =	vst v43  }
0xac: {  	v25 =	vld.idx.msk [tilespmem:v48+s4+$0x0], $0xffff;
	[tilespmem:s19+$0xFFFFFEE0] =	vst v42  }
0xad: {  	v48 =	vld.idx.msk [tilespmem:v50+s4+$0x0], $0xffff;
	[tilespmem:s19+$0xFFFFFEF0] =	vst v40  }
0xae: {  	[tilespmem:s19+$0xFFFFFF00] =	vst v39  }
0xaf: {  	[tilespmem:s19+$0xFFFFFF10] =	vst v37  }
0xb0: {  	vm1 =	veq.s32 v41, $0x1;
	[tilespmem:s19+$0xFFFFFF20] =	vst v34  }
0xb1: {  	vm0 =	veq.s32 v41, $0x0;
	vm2 =	veq.s32 v24, $0x1;
	v34 =	vsel vm1, v15, v23;
	[tilespmem:s19+$0xFFFFFF30] =	vst v38  }
0xb2: {  	v49 =	vsel vm2, v8, v16;
	vm4 =	veq.s32 v25, $0x1;
	v34 =	vsel vm0, v7, v34;
	s19 =	sadd.s32 $0x200, s19;
	[tilespmem:s17+$0xFFFFFF40] =	vst v31  }
0xb3: {  	v50 =	vsel vm2, v9, v17;
	v52 =	vsel vm2, v10, v18;
	vm3 =	veq.s32 v48, $0x1;
	[tilespmem:s19+$0xFFFFFF80] =	vst v34  }
0xb4: {  	v53 =	vsel vm2, v11, v19;
	v54 =	vsel vm2, v12, v20;
	v55 =	vsel vm2, v13, v21;
	[tilespmem:s17+$0xFFFFFF50] =	vst v28  }
0xb5: {  	v56 =	vsel vm2, v14, v22;
	v57 =	vsel vm2, v15, v23;
	v44 =	vsel vm4, v8, v16;
	[tilespmem:s17+$0xFFFFFF60] =	vst v35  }
0xb6: {  	v46 =	vsel vm4, v9, v17;
	v45 =	vsel vm4, v10, v18;
	v41 =	vsel vm4, v11, v19;
	[tilespmem:s17+$0xFFFFFF70] =	vst v29  }
0xb7: {  	v43 =	vsel vm4, v12, v20;
	v42 =	vsel vm4, v13, v21;
	v40 =	vsel vm4, v14, v22;
	[tilespmem:s17+$0xFFFFFF90] =	vst v36  }
0xb8: {  	v37 =	vsel vm1, v8, v16;
	v39 =	vsel vm4, v15, v23;
	v34 =	vsel vm1, v9, v17;
	[tilespmem:s17+$0xFFFFFFA0] =	vst v33  }
0xb9: {  	v38 =	vsel vm1, v10, v18;
	v31 =	vsel vm1, v11, v19;
	v28 =	vsel vm1, v12, v20;
	[tilespmem:s17+$0xFFFFFFB0] =	vst v32  }
0xba: {  	vm4 =	veq.s32 v24, $0x0;
	v35 =	vsel vm1, v13, v21;
	v29 =	vsel vm1, v14, v22;
	[tilespmem:s17+$0xFFFFFFC0] =	vst v30  }
0xbb: {  	vm2 =	veq.s32 v25, $0x0;
	v36 =	vsel vm3, v8, v16;
	v33 =	vsel vm3, v9, v17;
	[tilespmem:s17+$0xFFFFFFD0] =	vst v26  }
.Ltmp1:
0xbc: {  	v32 =	vsel vm3, v10, v18;
	v30 =	vsel vm3, v11, v19;
	v26 =	vsel vm3, v12, v20;
	[tilespmem:s17+$0xFFFFFFE0] =	vst v27;
	(pc) =	sbr.rel @p0 .LBB2_5-.Ltmp1, $4  }
0xbd: {  	v25 =	vsel vm3, v14, v22;
	v24 =	vsel vm3, v15, v23;
	v27 =	vsel vm3, v13, v21;
	[tilespmem:s17+$0xFFFFFFF0] =	vst v47  }
0xbe: {  	v50 =	vsel vm4, v1, v50;
	vm1 =	veq.s32 v48, $0x0;
	v47 =	vsel vm4, v0, v49;
	[tilespmem:s17+$0x0] =	vst v51;
	s17 =	smov.u32 s19  }
0xbf: {  	v52 =	vsel vm4, v2, v52;
	v49 =	vsel vm4, v4, v54;
	v51 =	vsel vm4, v3, v53;
	[tilespmem:s19+$0xFFFFFE10] =	vst v47  }
0xc0: {  	v48 =	vsel vm4, v6, v56;
	v47 =	vsel vm4, v7, v57;
	[tilespmem:s19+$0xFFFFFE20] =	vst v50;
	v50 =	vsel vm4, v5, v55  }
0xc1: {  	[tilespmem:s19+$0xFFFFFE30] =	vst v52  }
0xc2: {  	[tilespmem:s19+$0xFFFFFE40] =	vst v51  }
0xc3: {  	[tilespmem:s19+$0xFFFFFE50] =	vst v49  }
0xc4: {  	[tilespmem:s19+$0xFFFFFE60] =	vst v50  }
0xc5: {  	[tilespmem:s19+$0xFFFFFE70] =	vst v48  }
0xc6: {  	v44 =	vsel vm2, v0, v44;
	[tilespmem:s19+$0xFFFFFE80] =	vst v47  }
0xc7: {  	v46 =	vsel vm2, v1, v46;
	[tilespmem:s19+$0xFFFFFE90] =	vst v44  }
0xc8: {  	v55 =	vsel vm2, v2, v45;
	[tilespmem:s19+$0xFFFFFEA0] =	vst v46  }
0xc9: {  	v41 =	vsel vm2, v3, v41;
	[tilespmem:s19+$0xFFFFFEB0] =	vst v55  }
0xca: {  	v43 =	vsel vm2, v4, v43;
	[tilespmem:s19+$0xFFFFFEC0] =	vst v41  }
0xcb: {  	v56 =	vsel vm2, v5, v42;
	[tilespmem:s19+$0xFFFFFED0] =	vst v43  }
0xcc: {  	v40 =	vsel vm2, v6, v40;
	[tilespmem:s19+$0xFFFFFEE0] =	vst v56  }
0xcd: {  	v39 =	vsel vm2, v7, v39;
	[tilespmem:s19+$0xFFFFFEF0] =	vst v40  }
0xce: {  	v37 =	vsel vm0, v0, v37;
	[tilespmem:s19+$0xFFFFFF00] =	vst v39  }
0xcf: {  	v34 =	vsel vm0, v1, v34;
	[tilespmem:s19+$0xFFFFFF10] =	vst v37  }
0xd0: {  	v57 =	vsel vm0, v2, v38;
	[tilespmem:s19+$0xFFFFFF20] =	vst v34  }
0xd1: {  	v60 =	vsel vm1, v0, v36;
	[tilespmem:s19+$0xFFFFFF30] =	vst v57  }
0xd2: {  	v61 =	vsel vm1, v1, v33;
	[tilespmem:s17+$0xFFFFFF90] =	vst v60  }
0xd3: {  	v62 =	vsel vm1, v2, v32;
	[tilespmem:s17+$0xFFFFFFA0] =	vst v61  }
0xd4: {  	v63 =	vsel vm1, v3, v30;
	[tilespmem:s17+$0xFFFFFFB0] =	vst v62  }
0xd5: {  	v26 =	vsel vm1, v4, v26;
	[tilespmem:s17+$0xFFFFFFC0] =	vst v63  }
0xd6: {  	v27 =	vsel vm1, v5, v27;
	[tilespmem:s17+$0xFFFFFFD0] =	vst v26  }
0xd7: {  	v25 =	vsel vm1, v6, v25;
	[tilespmem:s17+$0xFFFFFFE0] =	vst v27  }
0xd8: {  	v24 =	vsel vm1, v7, v24;
	s16 =	sadd.s32 $0x1, s16;
	[tilespmem:s17+$0xFFFFFFF0] =	vst v25  }
0xd9: {  	v31 =	vsel vm0, v3, v31;
	[tilespmem:s17+$0x0] =	vst v24;
	p0 =	sne.s32 s16, $0x32  }
.Ltmp2:
0xda: {  	v28 =	vsel vm0, v4, v28;
	s18 =	sshll.u32 s18, $0xF;
	[tilespmem:s17+$0xFFFFFF40] =	vst v31;
	(pc) =	sbr.rel @p0 .LBB2_2-.Ltmp2, $4  }
0xdb: {  	v58 =	vsel vm0, v5, v35;
	s18 =	sadd.s32 s6, s18;
	[tilespmem:s17+$0xFFFFFF50] =	vst v28  }
0xdc: {  	v59 =	vsel vm0, v6, v29;
	[tilespmem:s17+$0xFFFFFF60] =	vst v58;
	s18 =	sshrl.u32 s18, $0x3  }
0xdd: {  	s15 =	sadd.s32 $0x200, s15;
	[tilespmem:s17+$0xFFFFFF70] =	vst v59;
	s31 =	sadd.s32 s3, s18  }
0xde: {  	[hbm4b:s31+s4] =	stream.linear.scatter [tilespmem:s11], [sflag:$0x2], $0x8000, $0x38;
	[tilespmem:$0x16600] =	vst v63  }
0xdf: {  	s14 =	sadd.s32 $0x1, s14  }
0xe0: {  	_ =	swait.ge [sflag:s12], $0x8000;
	p0 =	sne.s32 s14, s7  }
.Ltmp3:
0xe1: {  	[sflag:s12] =	ssyncset.done $0x0;
	(pc) =	sbr.rel @p0 .LBB2_1-.Ltmp3, $4  }
0xe2: {  	[sflag:s12] =	ssyncadd.s32 $0xFFFF8000  }
0xe3: {  	_ =	swait.ge [sflag:s13], $0x8000  }
0xe4: {  	[sflag:s13] =	ssyncset.done $0x0  }
0xe5: {  	[sflag:s13] =	ssyncadd.s32 $0xFFFF8000  }
0xe6: {  	_ =	sfence.sel $0x180000  }
0xe7: {  	[bflag:$0x0] =	sbarrier.arrive $0xFFFF  }
0xe8: {  	p0 =	sne.s32 s0, $0x0;
	_ =	strace $0x90000047  }
0xe9: {  	s0 =	sadd.s32 @!p0 $0x100000, s2;
	[bflag:$0x2] =	sbarrier.arrive $0xFFFF  }
0xea: {  	[sflag:s0] =	ssyncadd.tile.s32 @!p0 $0x1;
	_ =	shalt  }
.Lfunc_end2:
_tile_overlayer_lowered:
.L_overlay_start_2:
0xeb: {  	(tag) =	ssettag $0x2  }
0xec: {  	s0 =	rddreg [dreg:$0x0];
	s2 =	stileid.u32  }
0xed: {  	s1 =	rddreg [dreg:$0x1];
	p0 =	sne.s32 s2, $0x0  }
0xee: {  	s3 =	rddreg [dreg:$0x2];
	[bflag:$0x3] =	sbarrier.arrive $0xFFFF;
	s2 =	simm.s32 @!p0 $0x1C03  }
0xef: {  	[timem:s3], [sflag:s2] =	dma.local @!p0 [hbm:s0], s1  }
0xf0: {  	s0 =	simm.s32 @!p0 $0x3  }
0xf1: {  	_ =	swait.ge @!p0 [sflag:s0], s1  }
0xf2: {  	s1 =	ssub.s32 @!p0 $0x0, s1;
	[sflag:s0] =	ssyncset.done @!p0 $0x0  }
0xf3: {  	[sflag:s0] =	ssyncadd.s32 @!p0 s1  }
0xf4: {  	[bflag:$0x3] =	sbarrier.arrive $0xFFFF  }
0xf5: {  	_ =	shalt  }

</sc_bundles>
